<compile_context>
chip_gen: v7x
topology: tpu7x:2x2x1
jax: 0.10.2.dev20260603
libtpu: 0.0.44.dev20260713+nightly
codegen_flags: <defaults>
</compile_context>

<pallas_src>
import functools
import math

import jax
import jax.numpy as jnp
from jax import lax
from jax.experimental import pallas as pl
from jax.experimental.pallas import tpu as pltpu
from jax.experimental.pallas import tpu_sc as plsc

B = 16384
F = 26
V = 100000
D = 16
FD = F * D
BN_SCALE = float(1.0 / math.sqrt(1.0 + 1e-5))

_NC = 2
_NS = 16
_NW = _NC * _NS
_PPW = FD // _NW
_OCH = 8192
_L = 16
_UNROLL = 8


def _sc_gather_body(t2_hbm, t1_hbm, idx_hbm, e2t_hbm, e1t_hbm,
                    plane_v, idx_v, out_v, sem):
    wid = lax.axis_index("s") * _NC + lax.axis_index("c")

    def gather_plane(row_ref, out_row_ref):
        pltpu.async_copy(row_ref, plane_v, sem).wait()
        for c in range(B // _OCH):
            @plsc.parallel_loop(0, _OCH // _L, unroll=_UNROLL)
            def _(i):
                g = c * _OCH + i * _L
                iv = idx_v[g // 128, pl.ds(g % 128, _L)]
                out_v[pl.ds(i * _L, _L)] = plsc.load_gather(plane_v, [iv])
            pltpu.sync_copy(out_v, out_row_ref.at[pl.ds(c * _OCH, _OCH)])

    def plane_body(p, carry):
        r = wid * _PPW + p
        f = r // D
        pltpu.sync_copy(idx_hbm.at[f], idx_v)
        gather_plane(t2_hbm.at[r], e2t_hbm.at[r])
        return carry

    lax.fori_loop(0, _PPW, plane_body, 0)

    @pl.when(wid < F)
    def _():
        pltpu.sync_copy(idx_hbm.at[wid], idx_v)
        gather_plane(t1_hbm.at[wid, 0], e1t_hbm.at[wid])


def _make_sc_gather():
    return functools.partial(
        pl.kernel,
        mesh=plsc.VectorSubcoreMesh(core_axis_name="c", subcore_axis_name="s"),
        compiler_params=pltpu.CompilerParams(needs_layout_passes=False),
        out_type=[
            jax.ShapeDtypeStruct((FD, B), jnp.float32),
            jax.ShapeDtypeStruct((F, B), jnp.float32),
        ],
        scratch_types=[
            pltpu.VMEM((V,), jnp.float32),
            pltpu.VMEM((B // 128, 128), jnp.int32),
            pltpu.VMEM((_OCH,), jnp.float32),
            pltpu.SemaphoreType.DMA,
        ],
    )(_sc_gather_body)


def _tc_body(e2t_ref, e1t_ref, xvt_ref,
             w1_ref, b1_ref, w2_ref, b2_ref, w3_ref, b3_ref,
             wd_ref, bd_ref, out_ref):
    hi = jax.lax.Precision.HIGHEST
    e2t = e2t_ref[...]
    e1t = e1t_ref[...]
    xvt = xvt_ref[...]

    e3 = e2t.reshape(F, D, _BLK)
    u = e3 * xvt[:, None, :]
    ss = jnp.sum(u * u, axis=0)
    inv = 1.0 / jnp.maximum(jnp.sqrt(ss), 1e-12)
    xvn3 = u * inv[None, :, :]

    t = jnp.sum(xvn3, axis=0)
    s2sum = jnp.sum(xvn3 * xvn3, axis=0)
    f2s = jnp.sum(0.5 * (t * t - s2sum), axis=0, keepdims=True)
    f1s = jnp.sum(e1t * xvt, axis=0, keepdims=True)

    h = xvn3.reshape(FD, _BLK)
    for w_ref, b_ref in ((w1_ref, b1_ref), (w2_ref, b2_ref), (w3_ref, b3_ref)):
        h = jnp.maximum((jnp.dot(w_ref[...], h) + b_ref[...]) * BN_SCALE, 0.0)
    dsum = jnp.sum(h, axis=0, keepdims=True)

    stacked = jnp.concatenate([f1s, f2s, dsum], axis=0)
    out_ref[...] = jnp.dot(wd_ref[...], stacked, precision=hi) + bd_ref[...]


_BLK = 1024
_GRID = B // _BLK


def _tc_call(e2t, e1t, xvt, w1, b1c, w2, b2c, w3, b3c, wd, bdc):
    def full(shape):
        return pl.BlockSpec(shape, lambda i: (0, 0))

    return pl.pallas_call(
        _tc_body,
        grid=(_GRID,),
        in_specs=[
            pl.BlockSpec((FD, _BLK), lambda i: (0, i)),
            pl.BlockSpec((F, _BLK), lambda i: (0, i)),
            pl.BlockSpec((F, _BLK), lambda i: (0, i)),
            full((200, FD)),
            full((200, 1)),
            full((200, 200)),
            full((200, 1)),
            full((200, 200)),
            full((200, 1)),
            full((2, 3)),
            full((2, 1)),
        ],
        out_specs=pl.BlockSpec((2, _BLK), lambda i: (0, i)),
        out_shape=jax.ShapeDtypeStruct((2, B), jnp.float32),
    )(e2t, e1t, xvt, w1, b1c, w2, b2c, w3, b3c, wd, bdc)


def kernel(Xi, Xv, tbl1, tbl2, W1, b1, W2, b2, W3, b3, Wd, bd):
    idx = Xi[:, :, 0].astype(jnp.int32)
    idx_t = idx.T.reshape(F, B // 128, 128)
    t2 = jnp.transpose(tbl2, (0, 2, 1)).reshape(FD, V)
    t1 = jnp.transpose(tbl1, (0, 2, 1))

    e2t, e1t = _make_sc_gather()(t2, t1, idx_t)

    out_t = _tc_call(
        e2t, e1t, Xv.T,
        W1, b1.reshape(200, 1), W2, b2.reshape(200, 1), W3, b3.reshape(200, 1),
        Wd, bd.reshape(2, 1),
    )
    return out_t.T

# --- scband reference (transcript-rebuilt; emitter-appended) ---
"""Pipeline reference for scband-deep-fm-68771016344126 (READ-ONLY COPY).

The authoritative reference and input builder live on the scoring server;
editing this copy changes nothing except your own understanding.
"""

import jax, jax.numpy as jnp
import numpy as np

B = 16384
F = 26
V = 100000
D = 16
HID = [200, 200, 200]
BN_SCALE = 1.0 / np.sqrt(1.0 + 1e-5)  # eval-mode BatchNorm1d with init running stats (mean=0, var=1)


def setup_inputs(seed: int = 0) -> dict:
    key = jax.random.key(seed)
    ks = jax.random.split(key, 12)
    Xi = jax.random.randint(ks[0], (B, F, 1), 0, V).astype(jnp.int64)
    Xv = jax.random.uniform(ks[1], (B, F), dtype=jnp.float32)
    tbl1 = jax.random.normal(ks[2], (F, V, 1), dtype=jnp.float32) * 0.01
    tbl2 = jax.random.normal(ks[3], (F, V, D), dtype=jnp.float32) * 0.01
    all_dims = [F * D] + HID
    W1 = jax.random.normal(ks[4], (all_dims[1], all_dims[0]), dtype=jnp.float32) * np.sqrt(2.0 / all_dims[0])
    b1 = jnp.zeros((all_dims[1],), dtype=jnp.float32)
    W2 = jax.random.normal(ks[5], (all_dims[2], all_dims[1]), dtype=jnp.float32) * np.sqrt(2.0 / all_dims[1])
    b2 = jnp.zeros((all_dims[2],), dtype=jnp.float32)
    W3 = jax.random.normal(ks[6], (all_dims[3], all_dims[2]), dtype=jnp.float32) * np.sqrt(2.0 / all_dims[2])
    b3 = jnp.zeros((all_dims[3],), dtype=jnp.float32)
    Wd = jnp.ones((2, 3), dtype=jnp.float32)  # fm_dense_linear weight init to constant 1.0
    bd = jnp.zeros((2,), dtype=jnp.float32)
    return {"Xi": Xi, "Xv": Xv, "tbl1": tbl1, "tbl2": tbl2,
            "W1": W1, "b1": b1, "W2": W2, "b2": b2, "W3": W3, "b3": b3,
            "Wd": Wd, "bd": bd}


def reference(Xi, Xv, tbl1, tbl2, W1, b1, W2, b2, W3, b3, Wd, bd):
    idx = Xi[:, :, 0]                       # [B, F]
    fields = jnp.arange(F)[None, :]         # [1, F]
    # fm first order: per-field 1-d embedding lookup scaled by Xv
    e1 = tbl1[fields, idx]                  # [B, F, 1]
    f1 = e1[:, :, 0] * Xv                   # [B, F]
    # fm second order: per-field D-dim embedding lookup scaled by Xv
    e2 = tbl2[fields, idx]                  # [B, F, D]
    xv = e2 * Xv[:, :, None]                # [B, F, D]
    norm = jnp.sqrt(jnp.sum(xv * xv, axis=1, keepdims=True))
    xv = xv / jnp.maximum(norm, 1e-12)      # F.normalize(dim=1)
    s1 = jnp.sum(xv, axis=1) ** 2.0         # [B, D]
    s2 = jnp.sum(xv ** 2.0, axis=1)         # [B, D]
    f2 = 0.5 * (s1 - s2)                    # [B, D]
    # deep part (overfitting=True -> no dropout; eval-mode batchnorm)
    deep = xv.reshape(xv.shape[0], -1)      # [B, F*D]
    for W, b in ((W1, b1), (W2, b2), (W3, b3)):
        deep = jax.nn.relu((deep @ W.T + b) * BN_SCALE)
    final = jnp.stack([jnp.sum(f1, axis=1), jnp.sum(f2, axis=1), jnp.sum(deep, axis=1)], axis=1)  # [B, 3]
    return final @ Wd.T + bd                # [B, 2]

if __name__ == "__main__":
    import jax
    _d = setup_inputs()
    print(jax.jit(kernel)(*tuple(_d.values())))

</pallas_src>

<mosaic_0001>
#map = affine_map<(d0, d1) -> (0, 0)>
#map1 = affine_map<(d0, d1) -> (0, 0, 0)>
module attributes {stable_mosaic.version = 14 : i64} {
  func.func @_sc_gather_body(%arg0: i32, %arg1: i32, %arg2: memref<416x100000xf32, #tpu.memory_space<hbm>>, %arg3: memref<26x1x100000xf32, #tpu.memory_space<hbm>>, %arg4: memref<26x128x128xi32, #tpu.memory_space<hbm>>, %arg5: memref<416x16384xf32, #tpu.memory_space<hbm>>, %arg6: memref<26x16384xf32, #tpu.memory_space<hbm>>, %arg7: memref<100000xf32, #tpu.memory_space<vmem>>, %arg8: memref<128x128xi32, #tpu.memory_space<vmem>>, %arg9: memref<8192xf32, #tpu.memory_space<vmem>>, %arg10: memref<!tpu.dma_semaphore, #tpu.memory_space<semaphore_mem>>) attributes {dimension_semantics = [#tpu.dimension_semantics<core_parallel>, #tpu.dimension_semantics<subcore_parallel>], iteration_bounds = array<i64: 2, 16>, scalar_prefetch = 0 : i64, scratch_operands = 4 : i64, tpu.core_type = #tpu.core_type<sc_vector_subcore>, window_params = [{transform_indices = #map}, {transform_indices = #map1}, {transform_indices = #map1}, {transform_indices = #map}, {transform_indices = #map}]} {
    %mul3A = arith.constant 2 : i32
    %mul3A_0 = arith.muli %arg1, %mul3A : i32
    %add3A = arith.addi %mul3A_0, %arg0 : i32
    %scan3A = arith.constant 0 : i32
    %scan3A_1 = arith.constant 0 : i32
    %scan3A_2 = arith.constant 13 : i32
    %scan3A_3 = arith.addi %scan3A_1, %scan3A_2 : i32
    %scan3A_4 = arith.constant 1 : i32
    scf.for %scan3A_8 = %scan3A_1 to %scan3A_3 step %scan3A_4  : i32 {
      %mul3A_9 = arith.constant 13 : i32
      %mul3A_10 = arith.muli %add3A, %mul3A_9 : i32
      %add3A_11 = arith.addi %mul3A_10, %scan3A_8 : i32
      %jit3A = arith.constant 16 : i32
      %div3A = arith.divsi %add3A_11, %jit3A : i32
      %sign3A = arith.constant 0 : i32
      %sign3A_12 = arith.cmpi sgt, %add3A_11, %sign3A : i32
      %sign3A_13 = arith.extui %sign3A_12 : i1 to i32
      %sign3A_14 = arith.constant 0 : i32
      %sign3A_15 = arith.cmpi slt, %add3A_11, %sign3A_14 : i32
      %sign3A_16 = arith.extui %sign3A_15 : i1 to i32
      %sign3A_17 = arith.subi %sign3A_13, %sign3A_16 : i32
      %sign3A_18 = arith.constant 0 : i32
      %sign3A_19 = arith.cmpi sgt, %jit3A, %sign3A_18 : i32
      %sign3A_20 = arith.extui %sign3A_19 : i1 to i32
      %sign3A_21 = arith.constant 0 : i32
      %sign3A_22 = arith.cmpi slt, %jit3A, %sign3A_21 : i32
      %sign3A_23 = arith.extui %sign3A_22 : i1 to i32
      %sign3A_24 = arith.subi %sign3A_20, %sign3A_23 : i32
      %ne3A = arith.cmpi ne, %sign3A_17, %sign3A_24 : i32
      %rem3A = arith.remsi %add3A_11, %jit3A : i32
      %ne3A_25 = arith.constant 0 : i32
      %ne3A_26 = arith.cmpi ne, %rem3A, %ne3A_25 : i32
      %and3A = arith.andi %ne3A, %ne3A_26 : i1
      %sub3A = arith.constant 1 : i32
      %sub3A_27 = arith.subi %div3A, %sub3A : i32
      %select_n3A = arith.select %and3A, %sub3A_27, %div3A : i32
      "tpu.region"() ({
        %run_scoped3A = tpu.sem_alloc : memref<!tpu.dma_semaphore, #tpu.memory_space<semaphore_mem>>
        %dma_start3A_43 = arith.constant 0 : i32
        %dma_start3A_44 = arith.constant 0 : i32
        %dma_start3A_45 = tpu.memref_slice %arg4[%select_n3A, %dma_start3A_43, %dma_start3A_44] : memref<26x128x128xi32, #tpu.memory_space<hbm>> -> memref<1x128x128xi32, #tpu.memory_space<hbm>>
        %dma_start3A_46 = tpu.memref_squeeze %dma_start3A_45 : memref<1x128x128xi32, #tpu.memory_space<hbm>> -> memref<128x128xi32, #tpu.memory_space<hbm>>
        %dma_start3A_47 = arith.constant 0 : i32
        %dma_start3A_48 = arith.constant 0 : i32
        %dma_start3A_49 = tpu.memref_slice %arg4[%select_n3A, %dma_start3A_47, %dma_start3A_48] : memref<26x128x128xi32, #tpu.memory_space<hbm>> -> memref<1x128x128xi32, #tpu.memory_space<hbm>>
        %dma_start3A_50 = tpu.memref_squeeze %dma_start3A_49 : memref<1x128x128xi32, #tpu.memory_space<hbm>> -> memref<128x128xi32, #tpu.memory_space<hbm>>
        tpu.enqueue_dma source(%dma_start3A_50 : memref<128x128xi32, #tpu.memory_space<hbm>>) target(%arg8 : memref<128x128xi32, #tpu.memory_space<vmem>>) target_semaphore(%run_scoped3A : memref<!tpu.dma_semaphore, #tpu.memory_space<semaphore_mem>>)
        %dma_wait3A_51 = arith.constant 0 : i32
        %dma_wait3A_52 = arith.constant 0 : i32
        %dma_wait3A_53 = tpu.memref_slice %arg4[%select_n3A, %dma_wait3A_51, %dma_wait3A_52] : memref<26x128x128xi32, #tpu.memory_space<hbm>> -> memref<1x128x128xi32, #tpu.memory_space<hbm>>
        %dma_wait3A_54 = tpu.memref_squeeze %dma_wait3A_53 : memref<1x128x128xi32, #tpu.memory_space<hbm>> -> memref<128x128xi32, #tpu.memory_space<hbm>>
        %dma_wait3A_55 = arith.constant 0 : i32
        %dma_wait3A_56 = arith.constant 0 : i32
        %dma_wait3A_57 = tpu.memref_slice %arg4[%select_n3A, %dma_wait3A_55, %dma_wait3A_56] : memref<26x128x128xi32, #tpu.memory_space<hbm>> -> memref<1x128x128xi32, #tpu.memory_space<hbm>>
        %dma_wait3A_58 = tpu.memref_squeeze %dma_wait3A_57 : memref<1x128x128xi32, #tpu.memory_space<hbm>> -> memref<128x128xi32, #tpu.memory_space<hbm>>
        tpu.wait_dma2 semaphore(%run_scoped3A : memref<!tpu.dma_semaphore, #tpu.memory_space<semaphore_mem>>) src(%dma_wait3A_58 : memref<128x128xi32, #tpu.memory_space<hbm>>) dst(%arg8 : memref<128x128xi32, #tpu.memory_space<vmem>>)
        tpu.yield
      }) : () -> ()
      %dma_start3A = arith.constant 0 : i32
      %dma_start3A_28 = tpu.memref_slice %arg2[%add3A_11, %dma_start3A] : memref<416x100000xf32, #tpu.memory_space<hbm>> -> memref<1x100000xf32, #tpu.memory_space<hbm>>
      %dma_start3A_29 = tpu.memref_squeeze %dma_start3A_28 : memref<1x100000xf32, #tpu.memory_space<hbm>> -> memref<100000xf32, #tpu.memory_space<hbm>>
      %dma_start3A_30 = arith.constant 0 : i32
      %dma_start3A_31 = tpu.memref_slice %arg2[%add3A_11, %dma_start3A_30] : memref<416x100000xf32, #tpu.memory_space<hbm>> -> memref<1x100000xf32, #tpu.memory_space<hbm>>
      %dma_start3A_32 = tpu.memref_squeeze %dma_start3A_31 : memref<1x100000xf32, #tpu.memory_space<hbm>> -> memref<100000xf32, #tpu.memory_space<hbm>>
      tpu.enqueue_dma source(%dma_start3A_32 : memref<100000xf32, #tpu.memory_space<hbm>>) target(%arg7 : memref<100000xf32, #tpu.memory_space<vmem>>) target_semaphore(%arg10 : memref<!tpu.dma_semaphore, #tpu.memory_space<semaphore_mem>>)
      %dma_wait3A = arith.constant 0 : i32
      %dma_wait3A_33 = tpu.memref_slice %arg2[%add3A_11, %dma_wait3A] : memref<416x100000xf32, #tpu.memory_space<hbm>> -> memref<1x100000xf32, #tpu.memory_space<hbm>>
      %dma_wait3A_34 = tpu.memref_squeeze %dma_wait3A_33 : memref<1x100000xf32, #tpu.memory_space<hbm>> -> memref<100000xf32, #tpu.memory_space<hbm>>
      %dma_wait3A_35 = arith.constant 0 : i32
      %dma_wait3A_36 = tpu.memref_slice %arg2[%add3A_11, %dma_wait3A_35] : memref<416x100000xf32, #tpu.memory_space<hbm>> -> memref<1x100000xf32, #tpu.memory_space<hbm>>
      %dma_wait3A_37 = tpu.memref_squeeze %dma_wait3A_36 : memref<1x100000xf32, #tpu.memory_space<hbm>> -> memref<100000xf32, #tpu.memory_space<hbm>>
      tpu.wait_dma2 semaphore(%arg10 : memref<!tpu.dma_semaphore, #tpu.memory_space<semaphore_mem>>) src(%dma_wait3A_37 : memref<100000xf32, #tpu.memory_space<hbm>>) dst(%arg7 : memref<100000xf32, #tpu.memory_space<vmem>>)
      %parallel_loop3A = arith.constant 0 : i32
      %parallel_loop3A_38 = arith.constant 512 : i32
      %parallel_loop3A_39 = arith.constant 1 : i32
      scf.for %parallel_loop3A_43 = %parallel_loop3A to %parallel_loop3A_38 step %parallel_loop3A_39  : i32 {
        %parallel_loop3A_44 = arith.constant 16 : i32
        %parallel_loop3A_45 = arith.muli %parallel_loop3A_43, %parallel_loop3A_44 : i32
        %parallel_loop3A_46 = arith.constant 0 : i32
        %parallel_loop3A_47 = arith.addi %parallel_loop3A_46, %parallel_loop3A_45 : i32
        %parallel_loop3A_48 = arith.constant 128 : i32
        %parallel_loop3A_49 = arith.divsi %parallel_loop3A_47, %parallel_loop3A_48 : i32
        %parallel_loop3A_50 = arith.constant 0 : i32
        %parallel_loop3A_51 = arith.cmpi sgt, %parallel_loop3A_47, %parallel_loop3A_50 : i32
        %parallel_loop3A_52 = arith.extui %parallel_loop3A_51 : i1 to i32
        %parallel_loop3A_53 = arith.constant 0 : i32
        %parallel_loop3A_54 = arith.cmpi slt, %parallel_loop3A_47, %parallel_loop3A_53 : i32
        %parallel_loop3A_55 = arith.extui %parallel_loop3A_54 : i1 to i32
        %parallel_loop3A_56 = arith.subi %parallel_loop3A_52, %parallel_loop3A_55 : i32
        %parallel_loop3A_57 = arith.constant 0 : i32
        %parallel_loop3A_58 = arith.cmpi sgt, %parallel_loop3A_48, %parallel_loop3A_57 : i32
        %parallel_loop3A_59 = arith.extui %parallel_loop3A_58 : i1 to i32
        %parallel_loop3A_60 = arith.constant 0 : i32
        %parallel_loop3A_61 = arith.cmpi slt, %parallel_loop3A_48, %parallel_loop3A_60 : i32
        %parallel_loop3A_62 = arith.extui %parallel_loop3A_61 : i1 to i32
        %parallel_loop3A_63 = arith.subi %parallel_loop3A_59, %parallel_loop3A_62 : i32
        %parallel_loop3A_64 = arith.cmpi ne, %parallel_loop3A_56, %parallel_loop3A_63 : i32
        %parallel_loop3A_65 = arith.remsi %parallel_loop3A_47, %parallel_loop3A_48 : i32
        %parallel_loop3A_66 = arith.constant 0 : i32
        %parallel_loop3A_67 = arith.cmpi ne, %parallel_loop3A_65, %parallel_loop3A_66 : i32
        %parallel_loop3A_68 = arith.andi %parallel_loop3A_64, %parallel_loop3A_67 : i1
        %parallel_loop3A_69 = arith.constant 1 : i32
        %parallel_loop3A_70 = arith.subi %parallel_loop3A_49, %parallel_loop3A_69 : i32
        %parallel_loop3A_71 = arith.select %parallel_loop3A_68, %parallel_loop3A_70, %parallel_loop3A_49 : i32
        %parallel_loop3A_72 = arith.constant 128 : i32
        %parallel_loop3A_73 = arith.constant 0 : i32
        %parallel_loop3A_74 = arith.cmpi eq, %parallel_loop3A_72, %parallel_loop3A_73 : i32
        %parallel_loop3A_75 = arith.constant 1 : i32
        %parallel_loop3A_76 = arith.select %parallel_loop3A_74, %parallel_loop3A_75, %parallel_loop3A_72 : i32
        %parallel_loop3A_77 = arith.remsi %parallel_loop3A_47, %parallel_loop3A_76 : i32
        %parallel_loop3A_78 = arith.constant 0 : i32
        %parallel_loop3A_79 = arith.cmpi ne, %parallel_loop3A_77, %parallel_loop3A_78 : i32
        %parallel_loop3A_80 = arith.constant 0 : i32
        %parallel_loop3A_81 = arith.cmpi slt, %parallel_loop3A_77, %parallel_loop3A_80 : i32
        %parallel_loop3A_82 = arith.constant 0 : i32
        %parallel_loop3A_83 = arith.cmpi slt, %parallel_loop3A_76, %parallel_loop3A_82 : i32
        %parallel_loop3A_84 = arith.xori %parallel_loop3A_81, %parallel_loop3A_83 : i1
        %parallel_loop3A_85 = arith.andi %parallel_loop3A_84, %parallel_loop3A_79 : i1
        %parallel_loop3A_86 = arith.addi %parallel_loop3A_77, %parallel_loop3A_76 : i32
        %parallel_loop3A_87 = arith.select %parallel_loop3A_85, %parallel_loop3A_86, %parallel_loop3A_77 : i32
        %parallel_loop3A_88 = arith.index_cast %parallel_loop3A_71 : i32 to index
        %parallel_loop3A_89 = arith.index_cast %parallel_loop3A_87 : i32 to index
        %parallel_loop3A_90 = tpu.vector_load %arg8[%parallel_loop3A_88, %parallel_loop3A_89] {strides = array<i32>} : memref<128x128xi32, #tpu.memory_space<vmem>>, vector<16xi32>,
        %parallel_loop3A_91 = tpu.vector_load_idx %arg7[%parallel_loop3A_90] : memref<100000xf32, #tpu.memory_space<vmem>>[vector<16xi32>], vector<16xf32>,
        %parallel_loop3A_92 = arith.constant 16 : i32
        %parallel_loop3A_93 = arith.muli %parallel_loop3A_43, %parallel_loop3A_92 : i32
        %parallel_loop3A_94 = arith.index_cast %parallel_loop3A_93 : i32 to index
        %parallel_loop3A_95 = tpu.vector_load %arg9[%parallel_loop3A_94] {strides = array<i32>} : memref<8192xf32, #tpu.memory_space<vmem>>, vector<16xf32>,
        tpu.vector_store %arg9[%parallel_loop3A_94], %parallel_loop3A_91 {strides = array<i32>} : memref<8192xf32, #tpu.memory_space<vmem>>, vector<16xf32>,
      } {sc.loop_unroll_factor = 8 : i64, sc.parallel_access}
      "tpu.region"() ({
        %run_scoped3A = tpu.sem_alloc : memref<!tpu.dma_semaphore, #tpu.memory_space<semaphore_mem>>
        %dma_start3A_43 = arith.constant 0 : i32
        %dma_start3A_44 = tpu.memref_slice %arg5[%add3A_11, %dma_start3A_43] : memref<416x16384xf32, #tpu.memory_space<hbm>> -> memref<1x16384xf32, #tpu.memory_space<hbm>>
        %dma_start3A_45 = tpu.memref_squeeze %dma_start3A_44 : memref<1x16384xf32, #tpu.memory_space<hbm>> -> memref<16384xf32, #tpu.memory_space<hbm>>
        %dma_start3A_46 = arith.constant 0 : i32
        %dma_start3A_47 = tpu.memref_slice %dma_start3A_45[%dma_start3A_46] : memref<16384xf32, #tpu.memory_space<hbm>> -> memref<8192xf32, #tpu.memory_space<hbm>>
        %dma_start3A_48 = arith.constant 0 : i32
        %dma_start3A_49 = tpu.memref_slice %arg5[%add3A_11, %dma_start3A_48] : memref<416x16384xf32, #tpu.memory_space<hbm>> -> memref<1x16384xf32, #tpu.memory_space<hbm>>
        %dma_start3A_50 = tpu.memref_squeeze %dma_start3A_49 : memref<1x16384xf32, #tpu.memory_space<hbm>> -> memref<16384xf32, #tpu.memory_space<hbm>>
        %dma_start3A_51 = arith.constant 0 : i32
        %dma_start3A_52 = tpu.memref_slice %dma_start3A_50[%dma_start3A_51] : memref<16384xf32, #tpu.memory_space<hbm>> -> memref<8192xf32, #tpu.memory_space<hbm>>
        tpu.enqueue_dma source(%arg9 : memref<8192xf32, #tpu.memory_space<vmem>>) target(%dma_start3A_52 : memref<8192xf32, #tpu.memory_space<hbm>>) target_semaphore(%run_scoped3A : memref<!tpu.dma_semaphore, #tpu.memory_space<semaphore_mem>>)
        %dma_wait3A_53 = arith.constant 0 : i32
        %dma_wait3A_54 = tpu.memref_slice %arg5[%add3A_11, %dma_wait3A_53] : memref<416x16384xf32, #tpu.memory_space<hbm>> -> memref<1x16384xf32, #tpu.memory_space<hbm>>
        %dma_wait3A_55 = tpu.memref_squeeze %dma_wait3A_54 : memref<1x16384xf32, #tpu.memory_space<hbm>> -> memref<16384xf32, #tpu.memory_space<hbm>>
        %dma_wait3A_56 = arith.constant 0 : i32
        %dma_wait3A_57 = tpu.memref_slice %dma_wait3A_55[%dma_wait3A_56] : memref<16384xf32, #tpu.memory_space<hbm>> -> memref<8192xf32, #tpu.memory_space<hbm>>
        %dma_wait3A_58 = arith.constant 0 : i32
        %dma_wait3A_59 = tpu.memref_slice %arg5[%add3A_11, %dma_wait3A_58] : memref<416x16384xf32, #tpu.memory_space<hbm>> -> memref<1x16384xf32, #tpu.memory_space<hbm>>
        %dma_wait3A_60 = tpu.memref_squeeze %dma_wait3A_59 : memref<1x16384xf32, #tpu.memory_space<hbm>> -> memref<16384xf32, #tpu.memory_space<hbm>>
        %dma_wait3A_61 = arith.constant 0 : i32
        %dma_wait3A_62 = tpu.memref_slice %dma_wait3A_60[%dma_wait3A_61] : memref<16384xf32, #tpu.memory_space<hbm>> -> memref<8192xf32, #tpu.memory_space<hbm>>
        tpu.wait_dma2 semaphore(%run_scoped3A : memref<!tpu.dma_semaphore, #tpu.memory_space<semaphore_mem>>) src(%arg9 : memref<8192xf32, #tpu.memory_space<vmem>>) dst(%dma_wait3A_62 : memref<8192xf32, #tpu.memory_space<hbm>>)
        tpu.yield
      }) : () -> ()
      %parallel_loop3A_40 = arith.constant 0 : i32
      %parallel_loop3A_41 = arith.constant 512 : i32
      %parallel_loop3A_42 = arith.constant 1 : i32
      scf.for %parallel_loop3A_43 = %parallel_loop3A_40 to %parallel_loop3A_41 step %parallel_loop3A_42  : i32 {
        %parallel_loop3A_44 = arith.constant 16 : i32
        %parallel_loop3A_45 = arith.muli %parallel_loop3A_43, %parallel_loop3A_44 : i32
        %parallel_loop3A_46 = arith.constant 8192 : i32
        %parallel_loop3A_47 = arith.addi %parallel_loop3A_46, %parallel_loop3A_45 : i32
        %parallel_loop3A_48 = arith.constant 128 : i32
        %parallel_loop3A_49 = arith.divsi %parallel_loop3A_47, %parallel_loop3A_48 : i32
        %parallel_loop3A_50 = arith.constant 0 : i32
        %parallel_loop3A_51 = arith.cmpi sgt, %parallel_loop3A_47, %parallel_loop3A_50 : i32
        %parallel_loop3A_52 = arith.extui %parallel_loop3A_51 : i1 to i32
        %parallel_loop3A_53 = arith.constant 0 : i32
        %parallel_loop3A_54 = arith.cmpi slt, %parallel_loop3A_47, %parallel_loop3A_53 : i32
        %parallel_loop3A_55 = arith.extui %parallel_loop3A_54 : i1 to i32
        %parallel_loop3A_56 = arith.subi %parallel_loop3A_52, %parallel_loop3A_55 : i32
        %parallel_loop3A_57 = arith.constant 0 : i32
        %parallel_loop3A_58 = arith.cmpi sgt, %parallel_loop3A_48, %parallel_loop3A_57 : i32
        %parallel_loop3A_59 = arith.extui %parallel_loop3A_58 : i1 to i32
        %parallel_loop3A_60 = arith.constant 0 : i32
        %parallel_loop3A_61 = arith.cmpi slt, %parallel_loop3A_48, %parallel_loop3A_60 : i32
        %parallel_loop3A_62 = arith.extui %parallel_loop3A_61 : i1 to i32
        %parallel_loop3A_63 = arith.subi %parallel_loop3A_59, %parallel_loop3A_62 : i32
        %parallel_loop3A_64 = arith.cmpi ne, %parallel_loop3A_56, %parallel_loop3A_63 : i32
        %parallel_loop3A_65 = arith.remsi %parallel_loop3A_47, %parallel_loop3A_48 : i32
        %parallel_loop3A_66 = arith.constant 0 : i32
        %parallel_loop3A_67 = arith.cmpi ne, %parallel_loop3A_65, %parallel_loop3A_66 : i32
        %parallel_loop3A_68 = arith.andi %parallel_loop3A_64, %parallel_loop3A_67 : i1
        %parallel_loop3A_69 = arith.constant 1 : i32
        %parallel_loop3A_70 = arith.subi %parallel_loop3A_49, %parallel_loop3A_69 : i32
        %parallel_loop3A_71 = arith.select %parallel_loop3A_68, %parallel_loop3A_70, %parallel_loop3A_49 : i32
        %parallel_loop3A_72 = arith.constant 128 : i32
        %parallel_loop3A_73 = arith.constant 0 : i32
        %parallel_loop3A_74 = arith.cmpi eq, %parallel_loop3A_72, %parallel_loop3A_73 : i32
        %parallel_loop3A_75 = arith.constant 1 : i32
        %parallel_loop3A_76 = arith.select %parallel_loop3A_74, %parallel_loop3A_75, %parallel_loop3A_72 : i32
        %parallel_loop3A_77 = arith.remsi %parallel_loop3A_47, %parallel_loop3A_76 : i32
        %parallel_loop3A_78 = arith.constant 0 : i32
        %parallel_loop3A_79 = arith.cmpi ne, %parallel_loop3A_77, %parallel_loop3A_78 : i32
        %parallel_loop3A_80 = arith.constant 0 : i32
        %parallel_loop3A_81 = arith.cmpi slt, %parallel_loop3A_77, %parallel_loop3A_80 : i32
        %parallel_loop3A_82 = arith.constant 0 : i32
        %parallel_loop3A_83 = arith.cmpi slt, %parallel_loop3A_76, %parallel_loop3A_82 : i32
        %parallel_loop3A_84 = arith.xori %parallel_loop3A_81, %parallel_loop3A_83 : i1
        %parallel_loop3A_85 = arith.andi %parallel_loop3A_84, %parallel_loop3A_79 : i1
        %parallel_loop3A_86 = arith.addi %parallel_loop3A_77, %parallel_loop3A_76 : i32
        %parallel_loop3A_87 = arith.select %parallel_loop3A_85, %parallel_loop3A_86, %parallel_loop3A_77 : i32
        %parallel_loop3A_88 = arith.index_cast %parallel_loop3A_71 : i32 to index
        %parallel_loop3A_89 = arith.index_cast %parallel_loop3A_87 : i32 to index
        %parallel_loop3A_90 = tpu.vector_load %arg8[%parallel_loop3A_88, %parallel_loop3A_89] {strides = array<i32>} : memref<128x128xi32, #tpu.memory_space<vmem>>, vector<16xi32>,
        %parallel_loop3A_91 = tpu.vector_load_idx %arg7[%parallel_loop3A_90] : memref<100000xf32, #tpu.memory_space<vmem>>[vector<16xi32>], vector<16xf32>,
        %parallel_loop3A_92 = arith.constant 16 : i32
        %parallel_loop3A_93 = arith.muli %parallel_loop3A_43, %parallel_loop3A_92 : i32
        %parallel_loop3A_94 = arith.index_cast %parallel_loop3A_93 : i32 to index
        %parallel_loop3A_95 = tpu.vector_load %arg9[%parallel_loop3A_94] {strides = array<i32>} : memref<8192xf32, #tpu.memory_space<vmem>>, vector<16xf32>,
        tpu.vector_store %arg9[%parallel_loop3A_94], %parallel_loop3A_91 {strides = array<i32>} : memref<8192xf32, #tpu.memory_space<vmem>>, vector<16xf32>,
      } {sc.loop_unroll_factor = 8 : i64, sc.parallel_access}
      "tpu.region"() ({
        %run_scoped3A = tpu.sem_alloc : memref<!tpu.dma_semaphore, #tpu.memory_space<semaphore_mem>>
        %dma_start3A_43 = arith.constant 0 : i32
        %dma_start3A_44 = tpu.memref_slice %arg5[%add3A_11, %dma_start3A_43] : memref<416x16384xf32, #tpu.memory_space<hbm>> -> memref<1x16384xf32, #tpu.memory_space<hbm>>
        %dma_start3A_45 = tpu.memref_squeeze %dma_start3A_44 : memref<1x16384xf32, #tpu.memory_space<hbm>> -> memref<16384xf32, #tpu.memory_space<hbm>>
        %dma_start3A_46 = arith.constant 8192 : i32
        %dma_start3A_47 = tpu.memref_slice %dma_start3A_45[%dma_start3A_46] : memref<16384xf32, #tpu.memory_space<hbm>> -> memref<8192xf32, #tpu.memory_space<hbm>>
        %dma_start3A_48 = arith.constant 0 : i32
        %dma_start3A_49 = tpu.memref_slice %arg5[%add3A_11, %dma_start3A_48] : memref<416x16384xf32, #tpu.memory_space<hbm>> -> memref<1x16384xf32, #tpu.memory_space<hbm>>
        %dma_start3A_50 = tpu.memref_squeeze %dma_start3A_49 : memref<1x16384xf32, #tpu.memory_space<hbm>> -> memref<16384xf32, #tpu.memory_space<hbm>>
        %dma_start3A_51 = arith.constant 8192 : i32
        %dma_start3A_52 = tpu.memref_slice %dma_start3A_50[%dma_start3A_51] : memref<16384xf32, #tpu.memory_space<hbm>> -> memref<8192xf32, #tpu.memory_space<hbm>>
        tpu.enqueue_dma source(%arg9 : memref<8192xf32, #tpu.memory_space<vmem>>) target(%dma_start3A_52 : memref<8192xf32, #tpu.memory_space<hbm>>) target_semaphore(%run_scoped3A : memref<!tpu.dma_semaphore, #tpu.memory_space<semaphore_mem>>)
        %dma_wait3A_53 = arith.constant 0 : i32
        %dma_wait3A_54 = tpu.memref_slice %arg5[%add3A_11, %dma_wait3A_53] : memref<416x16384xf32, #tpu.memory_space<hbm>> -> memref<1x16384xf32, #tpu.memory_space<hbm>>
        %dma_wait3A_55 = tpu.memref_squeeze %dma_wait3A_54 : memref<1x16384xf32, #tpu.memory_space<hbm>> -> memref<16384xf32, #tpu.memory_space<hbm>>
        %dma_wait3A_56 = arith.constant 8192 : i32
        %dma_wait3A_57 = tpu.memref_slice %dma_wait3A_55[%dma_wait3A_56] : memref<16384xf32, #tpu.memory_space<hbm>> -> memref<8192xf32, #tpu.memory_space<hbm>>
        %dma_wait3A_58 = arith.constant 0 : i32
        %dma_wait3A_59 = tpu.memref_slice %arg5[%add3A_11, %dma_wait3A_58] : memref<416x16384xf32, #tpu.memory_space<hbm>> -> memref<1x16384xf32, #tpu.memory_space<hbm>>
        %dma_wait3A_60 = tpu.memref_squeeze %dma_wait3A_59 : memref<1x16384xf32, #tpu.memory_space<hbm>> -> memref<16384xf32, #tpu.memory_space<hbm>>
        %dma_wait3A_61 = arith.constant 8192 : i32
        %dma_wait3A_62 = tpu.memref_slice %dma_wait3A_60[%dma_wait3A_61] : memref<16384xf32, #tpu.memory_space<hbm>> -> memref<8192xf32, #tpu.memory_space<hbm>>
        tpu.wait_dma2 semaphore(%run_scoped3A : memref<!tpu.dma_semaphore, #tpu.memory_space<semaphore_mem>>) src(%arg9 : memref<8192xf32, #tpu.memory_space<vmem>>) dst(%dma_wait3A_62 : memref<8192xf32, #tpu.memory_space<hbm>>)
        tpu.yield
      }) : () -> ()
    }
    %scan3A_5 = arith.constant 13 : i32
    %lt3A = arith.constant 26 : i32
    %lt3A_6 = arith.cmpi slt, %add3A, %lt3A : i32
    %convert_element_type3A = arith.extui %lt3A_6 : i1 to i32
    %cond3A = arith.constant 0 : i32
    %cond3A_7 = arith.cmpi ne, %convert_element_type3A, %cond3A : i32
    scf.if %cond3A_7 {
      "tpu.region"() ({
        %run_scoped3A = tpu.sem_alloc : memref<!tpu.dma_semaphore, #tpu.memory_space<semaphore_mem>>
        %dma_start3A_25 = arith.constant 0 : i32
        %dma_start3A_26 = arith.constant 0 : i32
        %dma_start3A_27 = tpu.memref_slice %arg4[%add3A, %dma_start3A_25, %dma_start3A_26] : memref<26x128x128xi32, #tpu.memory_space<hbm>> -> memref<1x128x128xi32, #tpu.memory_space<hbm>>
        %dma_start3A_28 = tpu.memref_squeeze %dma_start3A_27 : memref<1x128x128xi32, #tpu.memory_space<hbm>> -> memref<128x128xi32, #tpu.memory_space<hbm>>
        %dma_start3A_29 = arith.constant 0 : i32
        %dma_start3A_30 = arith.constant 0 : i32
        %dma_start3A_31 = tpu.memref_slice %arg4[%add3A, %dma_start3A_29, %dma_start3A_30] : memref<26x128x128xi32, #tpu.memory_space<hbm>> -> memref<1x128x128xi32, #tpu.memory_space<hbm>>
        %dma_start3A_32 = tpu.memref_squeeze %dma_start3A_31 : memref<1x128x128xi32, #tpu.memory_space<hbm>> -> memref<128x128xi32, #tpu.memory_space<hbm>>
        tpu.enqueue_dma source(%dma_start3A_32 : memref<128x128xi32, #tpu.memory_space<hbm>>) target(%arg8 : memref<128x128xi32, #tpu.memory_space<vmem>>) target_semaphore(%run_scoped3A : memref<!tpu.dma_semaphore, #tpu.memory_space<semaphore_mem>>)
        %dma_wait3A_33 = arith.constant 0 : i32
        %dma_wait3A_34 = arith.constant 0 : i32
        %dma_wait3A_35 = tpu.memref_slice %arg4[%add3A, %dma_wait3A_33, %dma_wait3A_34] : memref<26x128x128xi32, #tpu.memory_space<hbm>> -> memref<1x128x128xi32, #tpu.memory_space<hbm>>
        %dma_wait3A_36 = tpu.memref_squeeze %dma_wait3A_35 : memref<1x128x128xi32, #tpu.memory_space<hbm>> -> memref<128x128xi32, #tpu.memory_space<hbm>>
        %dma_wait3A_37 = arith.constant 0 : i32
        %dma_wait3A_38 = arith.constant 0 : i32
        %dma_wait3A_39 = tpu.memref_slice %arg4[%add3A, %dma_wait3A_37, %dma_wait3A_38] : memref<26x128x128xi32, #tpu.memory_space<hbm>> -> memref<1x128x128xi32, #tpu.memory_space<hbm>>
        %dma_wait3A_40 = tpu.memref_squeeze %dma_wait3A_39 : memref<1x128x128xi32, #tpu.memory_space<hbm>> -> memref<128x128xi32, #tpu.memory_space<hbm>>
        tpu.wait_dma2 semaphore(%run_scoped3A : memref<!tpu.dma_semaphore, #tpu.memory_space<semaphore_mem>>) src(%dma_wait3A_40 : memref<128x128xi32, #tpu.memory_space<hbm>>) dst(%arg8 : memref<128x128xi32, #tpu.memory_space<vmem>>)
        tpu.yield
      }) : () -> ()
      %dma_start3A = arith.constant 0 : i32
      %dma_start3A_8 = arith.constant 0 : i32
      %dma_start3A_9 = tpu.memref_slice %arg3[%add3A, %dma_start3A, %dma_start3A_8] : memref<26x1x100000xf32, #tpu.memory_space<hbm>> -> memref<1x1x100000xf32, #tpu.memory_space<hbm>>
      %dma_start3A_10 = tpu.memref_squeeze %dma_start3A_9 : memref<1x1x100000xf32, #tpu.memory_space<hbm>> -> memref<100000xf32, #tpu.memory_space<hbm>>
      %dma_start3A_11 = arith.constant 0 : i32
      %dma_start3A_12 = tpu.memref_slice %arg3[%add3A, %dma_start3A, %dma_start3A_11] : memref<26x1x100000xf32, #tpu.memory_space<hbm>> -> memref<1x1x100000xf32, #tpu.memory_space<hbm>>
      %dma_start3A_13 = tpu.memref_squeeze %dma_start3A_12 : memref<1x1x100000xf32, #tpu.memory_space<hbm>> -> memref<100000xf32, #tpu.memory_space<hbm>>
      tpu.enqueue_dma source(%dma_start3A_13 : memref<100000xf32, #tpu.memory_space<hbm>>) target(%arg7 : memref<100000xf32, #tpu.memory_space<vmem>>) target_semaphore(%arg10 : memref<!tpu.dma_semaphore, #tpu.memory_space<semaphore_mem>>)
      %dma_wait3A = arith.constant 0 : i32
      %dma_wait3A_14 = arith.constant 0 : i32
      %dma_wait3A_15 = tpu.memref_slice %arg3[%add3A, %dma_wait3A, %dma_wait3A_14] : memref<26x1x100000xf32, #tpu.memory_space<hbm>> -> memref<1x1x100000xf32, #tpu.memory_space<hbm>>
      %dma_wait3A_16 = tpu.memref_squeeze %dma_wait3A_15 : memref<1x1x100000xf32, #tpu.memory_space<hbm>> -> memref<100000xf32, #tpu.memory_space<hbm>>
      %dma_wait3A_17 = arith.constant 0 : i32
      %dma_wait3A_18 = tpu.memref_slice %arg3[%add3A, %dma_wait3A, %dma_wait3A_17] : memref<26x1x100000xf32, #tpu.memory_space<hbm>> -> memref<1x1x100000xf32, #tpu.memory_space<hbm>>
      %dma_wait3A_19 = tpu.memref_squeeze %dma_wait3A_18 : memref<1x1x100000xf32, #tpu.memory_space<hbm>> -> memref<100000xf32, #tpu.memory_space<hbm>>
      tpu.wait_dma2 semaphore(%arg10 : memref<!tpu.dma_semaphore, #tpu.memory_space<semaphore_mem>>) src(%dma_wait3A_19 : memref<100000xf32, #tpu.memory_space<hbm>>) dst(%arg7 : memref<100000xf32, #tpu.memory_space<vmem>>)
      %parallel_loop3A = arith.constant 0 : i32
      %parallel_loop3A_20 = arith.constant 512 : i32
      %parallel_loop3A_21 = arith.constant 1 : i32
      scf.for %parallel_loop3A_25 = %parallel_loop3A to %parallel_loop3A_20 step %parallel_loop3A_21  : i32 {
        %parallel_loop3A_26 = arith.constant 16 : i32
        %parallel_loop3A_27 = arith.muli %parallel_loop3A_25, %parallel_loop3A_26 : i32
        %parallel_loop3A_28 = arith.constant 0 : i32
        %parallel_loop3A_29 = arith.addi %parallel_loop3A_28, %parallel_loop3A_27 : i32
        %parallel_loop3A_30 = arith.constant 128 : i32
        %parallel_loop3A_31 = arith.divsi %parallel_loop3A_29, %parallel_loop3A_30 : i32
        %parallel_loop3A_32 = arith.constant 0 : i32
        %parallel_loop3A_33 = arith.cmpi sgt, %parallel_loop3A_29, %parallel_loop3A_32 : i32
        %parallel_loop3A_34 = arith.extui %parallel_loop3A_33 : i1 to i32
        %parallel_loop3A_35 = arith.constant 0 : i32
        %parallel_loop3A_36 = arith.cmpi slt, %parallel_loop3A_29, %parallel_loop3A_35 : i32
        %parallel_loop3A_37 = arith.extui %parallel_loop3A_36 : i1 to i32
        %parallel_loop3A_38 = arith.subi %parallel_loop3A_34, %parallel_loop3A_37 : i32
        %parallel_loop3A_39 = arith.constant 0 : i32
        %parallel_loop3A_40 = arith.cmpi sgt, %parallel_loop3A_30, %parallel_loop3A_39 : i32
        %parallel_loop3A_41 = arith.extui %parallel_loop3A_40 : i1 to i32
        %parallel_loop3A_42 = arith.constant 0 : i32
        %parallel_loop3A_43 = arith.cmpi slt, %parallel_loop3A_30, %parallel_loop3A_42 : i32
        %parallel_loop3A_44 = arith.extui %parallel_loop3A_43 : i1 to i32
        %parallel_loop3A_45 = arith.subi %parallel_loop3A_41, %parallel_loop3A_44 : i32
        %parallel_loop3A_46 = arith.cmpi ne, %parallel_loop3A_38, %parallel_loop3A_45 : i32
        %parallel_loop3A_47 = arith.remsi %parallel_loop3A_29, %parallel_loop3A_30 : i32
        %parallel_loop3A_48 = arith.constant 0 : i32
        %parallel_loop3A_49 = arith.cmpi ne, %parallel_loop3A_47, %parallel_loop3A_48 : i32
        %parallel_loop3A_50 = arith.andi %parallel_loop3A_46, %parallel_loop3A_49 : i1
        %parallel_loop3A_51 = arith.constant 1 : i32
        %parallel_loop3A_52 = arith.subi %parallel_loop3A_31, %parallel_loop3A_51 : i32
        %parallel_loop3A_53 = arith.select %parallel_loop3A_50, %parallel_loop3A_52, %parallel_loop3A_31 : i32
        %parallel_loop3A_54 = arith.constant 128 : i32
        %parallel_loop3A_55 = arith.constant 0 : i32
        %parallel_loop3A_56 = arith.cmpi eq, %parallel_loop3A_54, %parallel_loop3A_55 : i32
        %parallel_loop3A_57 = arith.constant 1 : i32
        %parallel_loop3A_58 = arith.select %parallel_loop3A_56, %parallel_loop3A_57, %parallel_loop3A_54 : i32
        %parallel_loop3A_59 = arith.remsi %parallel_loop3A_29, %parallel_loop3A_58 : i32
        %parallel_loop3A_60 = arith.constant 0 : i32
        %parallel_loop3A_61 = arith.cmpi ne, %parallel_loop3A_59, %parallel_loop3A_60 : i32
        %parallel_loop3A_62 = arith.constant 0 : i32
        %parallel_loop3A_63 = arith.cmpi slt, %parallel_loop3A_59, %parallel_loop3A_62 : i32
        %parallel_loop3A_64 = arith.constant 0 : i32
        %parallel_loop3A_65 = arith.cmpi slt, %parallel_loop3A_58, %parallel_loop3A_64 : i32
        %parallel_loop3A_66 = arith.xori %parallel_loop3A_63, %parallel_loop3A_65 : i1
        %parallel_loop3A_67 = arith.andi %parallel_loop3A_66, %parallel_loop3A_61 : i1
        %parallel_loop3A_68 = arith.addi %parallel_loop3A_59, %parallel_loop3A_58 : i32
        %parallel_loop3A_69 = arith.select %parallel_loop3A_67, %parallel_loop3A_68, %parallel_loop3A_59 : i32
        %parallel_loop3A_70 = arith.index_cast %parallel_loop3A_53 : i32 to index
        %parallel_loop3A_71 = arith.index_cast %parallel_loop3A_69 : i32 to index
        %parallel_loop3A_72 = tpu.vector_load %arg8[%parallel_loop3A_70, %parallel_loop3A_71] {strides = array<i32>} : memref<128x128xi32, #tpu.memory_space<vmem>>, vector<16xi32>,
        %parallel_loop3A_73 = tpu.vector_load_idx %arg7[%parallel_loop3A_72] : memref<100000xf32, #tpu.memory_space<vmem>>[vector<16xi32>], vector<16xf32>,
        %parallel_loop3A_74 = arith.constant 16 : i32
        %parallel_loop3A_75 = arith.muli %parallel_loop3A_25, %parallel_loop3A_74 : i32
        %parallel_loop3A_76 = arith.index_cast %parallel_loop3A_75 : i32 to index
        %parallel_loop3A_77 = tpu.vector_load %arg9[%parallel_loop3A_76] {strides = array<i32>} : memref<8192xf32, #tpu.memory_space<vmem>>, vector<16xf32>,
        tpu.vector_store %arg9[%parallel_loop3A_76], %parallel_loop3A_73 {strides = array<i32>} : memref<8192xf32, #tpu.memory_space<vmem>>, vector<16xf32>,
      } {sc.loop_unroll_factor = 8 : i64, sc.parallel_access}
      "tpu.region"() ({
        %run_scoped3A = tpu.sem_alloc : memref<!tpu.dma_semaphore, #tpu.memory_space<semaphore_mem>>
        %dma_start3A_25 = arith.constant 0 : i32
        %dma_start3A_26 = tpu.memref_slice %arg6[%add3A, %dma_start3A_25] : memref<26x16384xf32, #tpu.memory_space<hbm>> -> memref<1x16384xf32, #tpu.memory_space<hbm>>
        %dma_start3A_27 = tpu.memref_squeeze %dma_start3A_26 : memref<1x16384xf32, #tpu.memory_space<hbm>> -> memref<16384xf32, #tpu.memory_space<hbm>>
        %dma_start3A_28 = arith.constant 0 : i32
        %dma_start3A_29 = tpu.memref_slice %dma_start3A_27[%dma_start3A_28] : memref<16384xf32, #tpu.memory_space<hbm>> -> memref<8192xf32, #tpu.memory_space<hbm>>
        %dma_start3A_30 = arith.constant 0 : i32
        %dma_start3A_31 = tpu.memref_slice %arg6[%add3A, %dma_start3A_30] : memref<26x16384xf32, #tpu.memory_space<hbm>> -> memref<1x16384xf32, #tpu.memory_space<hbm>>
        %dma_start3A_32 = tpu.memref_squeeze %dma_start3A_31 : memref<1x16384xf32, #tpu.memory_space<hbm>> -> memref<16384xf32, #tpu.memory_space<hbm>>
        %dma_start3A_33 = arith.constant 0 : i32
        %dma_start3A_34 = tpu.memref_slice %dma_start3A_32[%dma_start3A_33] : memref<16384xf32, #tpu.memory_space<hbm>> -> memref<8192xf32, #tpu.memory_space<hbm>>
        tpu.enqueue_dma source(%arg9 : memref<8192xf32, #tpu.memory_space<vmem>>) target(%dma_start3A_34 : memref<8192xf32, #tpu.memory_space<hbm>>) target_semaphore(%run_scoped3A : memref<!tpu.dma_semaphore, #tpu.memory_space<semaphore_mem>>)
        %dma_wait3A_35 = arith.constant 0 : i32
        %dma_wait3A_36 = tpu.memref_slice %arg6[%add3A, %dma_wait3A_35] : memref<26x16384xf32, #tpu.memory_space<hbm>> -> memref<1x16384xf32, #tpu.memory_space<hbm>>
        %dma_wait3A_37 = tpu.memref_squeeze %dma_wait3A_36 : memref<1x16384xf32, #tpu.memory_space<hbm>> -> memref<16384xf32, #tpu.memory_space<hbm>>
        %dma_wait3A_38 = arith.constant 0 : i32
        %dma_wait3A_39 = tpu.memref_slice %dma_wait3A_37[%dma_wait3A_38] : memref<16384xf32, #tpu.memory_space<hbm>> -> memref<8192xf32, #tpu.memory_space<hbm>>
        %dma_wait3A_40 = arith.constant 0 : i32
        %dma_wait3A_41 = tpu.memref_slice %arg6[%add3A, %dma_wait3A_40] : memref<26x16384xf32, #tpu.memory_space<hbm>> -> memref<1x16384xf32, #tpu.memory_space<hbm>>
        %dma_wait3A_42 = tpu.memref_squeeze %dma_wait3A_41 : memref<1x16384xf32, #tpu.memory_space<hbm>> -> memref<16384xf32, #tpu.memory_space<hbm>>
        %dma_wait3A_43 = arith.constant 0 : i32
        %dma_wait3A_44 = tpu.memref_slice %dma_wait3A_42[%dma_wait3A_43] : memref<16384xf32, #tpu.memory_space<hbm>> -> memref<8192xf32, #tpu.memory_space<hbm>>
        tpu.wait_dma2 semaphore(%run_scoped3A : memref<!tpu.dma_semaphore, #tpu.memory_space<semaphore_mem>>) src(%arg9 : memref<8192xf32, #tpu.memory_space<vmem>>) dst(%dma_wait3A_44 : memref<8192xf32, #tpu.memory_space<hbm>>)
        tpu.yield
      }) : () -> ()
      %parallel_loop3A_22 = arith.constant 0 : i32
      %parallel_loop3A_23 = arith.constant 512 : i32
      %parallel_loop3A_24 = arith.constant 1 : i32
      scf.for %parallel_loop3A_25 = %parallel_loop3A_22 to %parallel_loop3A_23 step %parallel_loop3A_24  : i32 {
        %parallel_loop3A_26 = arith.constant 16 : i32
        %parallel_loop3A_27 = arith.muli %parallel_loop3A_25, %parallel_loop3A_26 : i32
        %parallel_loop3A_28 = arith.constant 8192 : i32
        %parallel_loop3A_29 = arith.addi %parallel_loop3A_28, %parallel_loop3A_27 : i32
        %parallel_loop3A_30 = arith.constant 128 : i32
        %parallel_loop3A_31 = arith.divsi %parallel_loop3A_29, %parallel_loop3A_30 : i32
        %parallel_loop3A_32 = arith.constant 0 : i32
        %parallel_loop3A_33 = arith.cmpi sgt, %parallel_loop3A_29, %parallel_loop3A_32 : i32
        %parallel_loop3A_34 = arith.extui %parallel_loop3A_33 : i1 to i32
        %parallel_loop3A_35 = arith.constant 0 : i32
        %parallel_loop3A_36 = arith.cmpi slt, %parallel_loop3A_29, %parallel_loop3A_35 : i32
        %parallel_loop3A_37 = arith.extui %parallel_loop3A_36 : i1 to i32
        %parallel_loop3A_38 = arith.subi %parallel_loop3A_34, %parallel_loop3A_37 : i32
        %parallel_loop3A_39 = arith.constant 0 : i32
        %parallel_loop3A_40 = arith.cmpi sgt, %parallel_loop3A_30, %parallel_loop3A_39 : i32
        %parallel_loop3A_41 = arith.extui %parallel_loop3A_40 : i1 to i32
        %parallel_loop3A_42 = arith.constant 0 : i32
        %parallel_loop3A_43 = arith.cmpi slt, %parallel_loop3A_30, %parallel_loop3A_42 : i32
        %parallel_loop3A_44 = arith.extui %parallel_loop3A_43 : i1 to i32
        %parallel_loop3A_45 = arith.subi %parallel_loop3A_41, %parallel_loop3A_44 : i32
        %parallel_loop3A_46 = arith.cmpi ne, %parallel_loop3A_38, %parallel_loop3A_45 : i32
        %parallel_loop3A_47 = arith.remsi %parallel_loop3A_29, %parallel_loop3A_30 : i32
        %parallel_loop3A_48 = arith.constant 0 : i32
        %parallel_loop3A_49 = arith.cmpi ne, %parallel_loop3A_47, %parallel_loop3A_48 : i32
        %parallel_loop3A_50 = arith.andi %parallel_loop3A_46, %parallel_loop3A_49 : i1
        %parallel_loop3A_51 = arith.constant 1 : i32
        %parallel_loop3A_52 = arith.subi %parallel_loop3A_31, %parallel_loop3A_51 : i32
        %parallel_loop3A_53 = arith.select %parallel_loop3A_50, %parallel_loop3A_52, %parallel_loop3A_31 : i32
        %parallel_loop3A_54 = arith.constant 128 : i32
        %parallel_loop3A_55 = arith.constant 0 : i32
        %parallel_loop3A_56 = arith.cmpi eq, %parallel_loop3A_54, %parallel_loop3A_55 : i32
        %parallel_loop3A_57 = arith.constant 1 : i32
        %parallel_loop3A_58 = arith.select %parallel_loop3A_56, %parallel_loop3A_57, %parallel_loop3A_54 : i32
        %parallel_loop3A_59 = arith.remsi %parallel_loop3A_29, %parallel_loop3A_58 : i32
        %parallel_loop3A_60 = arith.constant 0 : i32
        %parallel_loop3A_61 = arith.cmpi ne, %parallel_loop3A_59, %parallel_loop3A_60 : i32
        %parallel_loop3A_62 = arith.constant 0 : i32
        %parallel_loop3A_63 = arith.cmpi slt, %parallel_loop3A_59, %parallel_loop3A_62 : i32
        %parallel_loop3A_64 = arith.constant 0 : i32
        %parallel_loop3A_65 = arith.cmpi slt, %parallel_loop3A_58, %parallel_loop3A_64 : i32
        %parallel_loop3A_66 = arith.xori %parallel_loop3A_63, %parallel_loop3A_65 : i1
        %parallel_loop3A_67 = arith.andi %parallel_loop3A_66, %parallel_loop3A_61 : i1
        %parallel_loop3A_68 = arith.addi %parallel_loop3A_59, %parallel_loop3A_58 : i32
        %parallel_loop3A_69 = arith.select %parallel_loop3A_67, %parallel_loop3A_68, %parallel_loop3A_59 : i32
        %parallel_loop3A_70 = arith.index_cast %parallel_loop3A_53 : i32 to index
        %parallel_loop3A_71 = arith.index_cast %parallel_loop3A_69 : i32 to index
        %parallel_loop3A_72 = tpu.vector_load %arg8[%parallel_loop3A_70, %parallel_loop3A_71] {strides = array<i32>} : memref<128x128xi32, #tpu.memory_space<vmem>>, vector<16xi32>,
        %parallel_loop3A_73 = tpu.vector_load_idx %arg7[%parallel_loop3A_72] : memref<100000xf32, #tpu.memory_space<vmem>>[vector<16xi32>], vector<16xf32>,
        %parallel_loop3A_74 = arith.constant 16 : i32
        %parallel_loop3A_75 = arith.muli %parallel_loop3A_25, %parallel_loop3A_74 : i32
        %parallel_loop3A_76 = arith.index_cast %parallel_loop3A_75 : i32 to index
        %parallel_loop3A_77 = tpu.vector_load %arg9[%parallel_loop3A_76] {strides = array<i32>} : memref<8192xf32, #tpu.memory_space<vmem>>, vector<16xf32>,
        tpu.vector_store %arg9[%parallel_loop3A_76], %parallel_loop3A_73 {strides = array<i32>} : memref<8192xf32, #tpu.memory_space<vmem>>, vector<16xf32>,
      } {sc.loop_unroll_factor = 8 : i64, sc.parallel_access}
      "tpu.region"() ({
        %run_scoped3A = tpu.sem_alloc : memref<!tpu.dma_semaphore, #tpu.memory_space<semaphore_mem>>
        %dma_start3A_25 = arith.constant 0 : i32
        %dma_start3A_26 = tpu.memref_slice %arg6[%add3A, %dma_start3A_25] : memref<26x16384xf32, #tpu.memory_space<hbm>> -> memref<1x16384xf32, #tpu.memory_space<hbm>>
        %dma_start3A_27 = tpu.memref_squeeze %dma_start3A_26 : memref<1x16384xf32, #tpu.memory_space<hbm>> -> memref<16384xf32, #tpu.memory_space<hbm>>
        %dma_start3A_28 = arith.constant 8192 : i32
        %dma_start3A_29 = tpu.memref_slice %dma_start3A_27[%dma_start3A_28] : memref<16384xf32, #tpu.memory_space<hbm>> -> memref<8192xf32, #tpu.memory_space<hbm>>
        %dma_start3A_30 = arith.constant 0 : i32
        %dma_start3A_31 = tpu.memref_slice %arg6[%add3A, %dma_start3A_30] : memref<26x16384xf32, #tpu.memory_space<hbm>> -> memref<1x16384xf32, #tpu.memory_space<hbm>>
        %dma_start3A_32 = tpu.memref_squeeze %dma_start3A_31 : memref<1x16384xf32, #tpu.memory_space<hbm>> -> memref<16384xf32, #tpu.memory_space<hbm>>
        %dma_start3A_33 = arith.constant 8192 : i32
        %dma_start3A_34 = tpu.memref_slice %dma_start3A_32[%dma_start3A_33] : memref<16384xf32, #tpu.memory_space<hbm>> -> memref<8192xf32, #tpu.memory_space<hbm>>
        tpu.enqueue_dma source(%arg9 : memref<8192xf32, #tpu.memory_space<vmem>>) target(%dma_start3A_34 : memref<8192xf32, #tpu.memory_space<hbm>>) target_semaphore(%run_scoped3A : memref<!tpu.dma_semaphore, #tpu.memory_space<semaphore_mem>>)
        %dma_wait3A_35 = arith.constant 0 : i32
        %dma_wait3A_36 = tpu.memref_slice %arg6[%add3A, %dma_wait3A_35] : memref<26x16384xf32, #tpu.memory_space<hbm>> -> memref<1x16384xf32, #tpu.memory_space<hbm>>
        %dma_wait3A_37 = tpu.memref_squeeze %dma_wait3A_36 : memref<1x16384xf32, #tpu.memory_space<hbm>> -> memref<16384xf32, #tpu.memory_space<hbm>>
        %dma_wait3A_38 = arith.constant 8192 : i32
        %dma_wait3A_39 = tpu.memref_slice %dma_wait3A_37[%dma_wait3A_38] : memref<16384xf32, #tpu.memory_space<hbm>> -> memref<8192xf32, #tpu.memory_space<hbm>>
        %dma_wait3A_40 = arith.constant 0 : i32
        %dma_wait3A_41 = tpu.memref_slice %arg6[%add3A, %dma_wait3A_40] : memref<26x16384xf32, #tpu.memory_space<hbm>> -> memref<1x16384xf32, #tpu.memory_space<hbm>>
        %dma_wait3A_42 = tpu.memref_squeeze %dma_wait3A_41 : memref<1x16384xf32, #tpu.memory_space<hbm>> -> memref<16384xf32, #tpu.memory_space<hbm>>
        %dma_wait3A_43 = arith.constant 8192 : i32
        %dma_wait3A_44 = tpu.memref_slice %dma_wait3A_42[%dma_wait3A_43] : memref<16384xf32, #tpu.memory_space<hbm>> -> memref<8192xf32, #tpu.memory_space<hbm>>
        tpu.wait_dma2 semaphore(%run_scoped3A : memref<!tpu.dma_semaphore, #tpu.memory_space<semaphore_mem>>) src(%arg9 : memref<8192xf32, #tpu.memory_space<vmem>>) dst(%dma_wait3A_44 : memref<8192xf32, #tpu.memory_space<hbm>>)
        tpu.yield
      }) : () -> ()
    } else {
    }
    return
  }
}

module attributes {stable_mosaic.version = 14 : i64} {
  func.func @_tc_body(%arg0: i32, %arg1: memref<416x1024xf32, #tpu.memory_space<vmem>>, %arg2: memref<26x1024xf32, #tpu.memory_space<vmem>>, %arg3: memref<26x1024xf32, #tpu.memory_space<vmem>>, %arg4: memref<200x416xf32, #tpu.memory_space<vmem>>, %arg5: memref<200x1xf32, #tpu.memory_space<vmem>>, %arg6: memref<200x200xf32, #tpu.memory_space<vmem>>, %arg7: memref<200x1xf32, #tpu.memory_space<vmem>>, %arg8: memref<200x200xf32, #tpu.memory_space<vmem>>, %arg9: memref<200x1xf32, #tpu.memory_space<vmem>>, %arg10: memref<2x3xf32, #tpu.memory_space<vmem>>, %arg11: memref<2x1xf32, #tpu.memory_space<vmem>>, %arg12: memref<2x1024xf32, #tpu.memory_space<vmem>>) attributes {dimension_semantics = [#tpu.dimension_semantics<arbitrary>], iteration_bounds = array<i64: 16>, scalar_prefetch = 0 : i64, scratch_operands = 0 : i64, tpu.core_type = #tpu.core_type<tc>, window_params = [{transform_indices = @transform_0, window_bounds = array<i64: 416, 1024>}, {transform_indices = @transform_1, window_bounds = array<i64: 26, 1024>}, {transform_indices = @transform_2, window_bounds = array<i64: 26, 1024>}, {pipeline_mode = #tpu.pipeline_mode<synchronous>, transform_indices = @transform_3, window_bounds = array<i64: 200, 416>}, {pipeline_mode = #tpu.pipeline_mode<synchronous>, transform_indices = @transform_4, window_bounds = array<i64: 200, 1>}, {pipeline_mode = #tpu.pipeline_mode<synchronous>, transform_indices = @transform_5, window_bounds = array<i64: 200, 200>}, {pipeline_mode = #tpu.pipeline_mode<synchronous>, transform_indices = @transform_6, window_bounds = array<i64: 200, 1>}, {pipeline_mode = #tpu.pipeline_mode<synchronous>, transform_indices = @transform_7, window_bounds = array<i64: 200, 200>}, {pipeline_mode = #tpu.pipeline_mode<synchronous>, transform_indices = @transform_8, window_bounds = array<i64: 200, 1>}, {pipeline_mode = #tpu.pipeline_mode<synchronous>, transform_indices = @transform_9, window_bounds = array<i64: 2, 3>}, {pipeline_mode = #tpu.pipeline_mode<synchronous>, transform_indices = @transform_10, window_bounds = array<i64: 2, 1>}, {transform_indices = @transform_11, window_bounds = array<i64: 2, 1024>}]} {
    %get3A = arith.constant 0 : index
    %get3A_0 = arith.constant 0 : index
    %get3A_1 = vector.load %arg1[%get3A, %get3A_0] : memref<416x1024xf32, #tpu.memory_space<vmem>>, vector<416x1024xf32>
    %get3A_2 = arith.constant 0 : index
    %get3A_3 = arith.constant 0 : index
    %get3A_4 = vector.load %arg2[%get3A_2, %get3A_3] : memref<26x1024xf32, #tpu.memory_space<vmem>>, vector<26x1024xf32>
    %get3A_5 = arith.constant 0 : index
    %get3A_6 = arith.constant 0 : index
    %get3A_7 = vector.load %arg3[%get3A_5, %get3A_6] : memref<26x1024xf32, #tpu.memory_space<vmem>>, vector<26x1024xf32>
    %reshape3A = vector.shape_cast %get3A_1 : vector<416x1024xf32> to vector<26x16x1024xf32>
    %broadcast_in_dim3A = vector.shape_cast %get3A_7 : vector<26x1024xf32> to vector<26x1x1024xf32>
    %mul3A = vector.broadcast %broadcast_in_dim3A : vector<26x1x1024xf32> to vector<26x16x1024xf32>
    %mul3A_8 = arith.mulf %reshape3A, %mul3A : vector<26x16x1024xf32>
    %mul3A_9 = arith.mulf %mul3A_8, %mul3A_8 : vector<26x16x1024xf32>
    %reduce_sum3A = arith.constant dense<0.000000e+00> : vector<16x1024xf32>
    %reduce_sum3A_10 = vector.multi_reduction <add>, %mul3A_9, %reduce_sum3A [0] : vector<26x16x1024xf32> to vector<16x1024xf32>
    %sqrt3A = math.sqrt %reduce_sum3A_10 : vector<16x1024xf32>
    %max3A = arith.constant 9.99999996E-13 : f32
    %max3A_11 = vector.broadcast %max3A : f32 to vector<16x1024xf32>
    %max3A_12 = arith.maximumf %sqrt3A, %max3A_11 : vector<16x1024xf32>
    %div3A = arith.constant 1.000000e+00 : f32
    %div3A_13 = vector.broadcast %div3A : f32 to vector<16x1024xf32>
    %div3A_14 = arith.divf %div3A_13, %max3A_12 : vector<16x1024xf32>
    %broadcast_in_dim3A_15 = vector.shape_cast %div3A_14 : vector<16x1024xf32> to vector<1x16x1024xf32>
    %mul3A_16 = vector.broadcast %broadcast_in_dim3A_15 : vector<1x16x1024xf32> to vector<26x16x1024xf32>
    %mul3A_17 = arith.mulf %mul3A_8, %mul3A_16 : vector<26x16x1024xf32>
    %reduce_sum3A_18 = arith.constant dense<0.000000e+00> : vector<16x1024xf32>
    %reduce_sum3A_19 = vector.multi_reduction <add>, %mul3A_17, %reduce_sum3A_18 [0] : vector<26x16x1024xf32> to vector<16x1024xf32>
    %mul3A_20 = arith.mulf %mul3A_17, %mul3A_17 : vector<26x16x1024xf32>
    %reduce_sum3A_21 = arith.constant dense<0.000000e+00> : vector<16x1024xf32>
    %reduce_sum3A_22 = vector.multi_reduction <add>, %mul3A_20, %reduce_sum3A_21 [0] : vector<26x16x1024xf32> to vector<16x1024xf32>
    %mul3A_23 = arith.mulf %reduce_sum3A_19, %reduce_sum3A_19 : vector<16x1024xf32>
    %sub3A = arith.subf %mul3A_23, %reduce_sum3A_22 : vector<16x1024xf32>
    %mul3A_24 = arith.constant 5.000000e-01 : f32
    %mul3A_25 = vector.broadcast %mul3A_24 : f32 to vector<16x1024xf32>
    %mul3A_26 = arith.mulf %mul3A_25, %sub3A : vector<16x1024xf32>
    %reduce_sum3A_27 = arith.constant dense<0.000000e+00> : vector<1024xf32>
    %reduce_sum3A_28 = vector.multi_reduction <add>, %mul3A_26, %reduce_sum3A_27 [0] : vector<16x1024xf32> to vector<1024xf32>
    %broadcast_in_dim3A_29 = vector.shape_cast %reduce_sum3A_28 : vector<1024xf32> to vector<1x1024xf32>
    %mul3A_30 = arith.mulf %get3A_4, %get3A_7 : vector<26x1024xf32>
    %reduce_sum3A_31 = arith.constant dense<0.000000e+00> : vector<1024xf32>
    %reduce_sum3A_32 = vector.multi_reduction <add>, %mul3A_30, %reduce_sum3A_31 [0] : vector<26x1024xf32> to vector<1024xf32>
    %broadcast_in_dim3A_33 = vector.shape_cast %reduce_sum3A_32 : vector<1024xf32> to vector<1x1024xf32>
    %reshape3A_34 = vector.shape_cast %mul3A_17 : vector<26x16x1024xf32> to vector<416x1024xf32>
    %get3A_35 = arith.constant 0 : index
    %get3A_36 = arith.constant 0 : index
    %get3A_37 = vector.load %arg4[%get3A_35, %get3A_36] : memref<200x416xf32, #tpu.memory_space<vmem>>, vector<200x416xf32>
    %dot_general3A = arith.constant dense<0.000000e+00> : vector<200x1024xf32>
    %dot_general3A_38 = tpu.matmul %get3A_37, %reshape3A_34, %dot_general3A {dimension_numbers = #tpu.dot_dimension_numbers<[1], [0], [0], [1], [0, 0, 1, 1], [], []>, transpose_lhs_hint = false} : vector<200x416xf32>, vector<416x1024xf32>, vector<200x1024xf32> -> vector<200x1024xf32>
    %get3A_39 = arith.constant 0 : index
    %get3A_40 = arith.constant 0 : index
    %get3A_41 = vector.load %arg5[%get3A_39, %get3A_40] : memref<200x1xf32, #tpu.memory_space<vmem>>, vector<200x1xf32>
    %add3A = vector.broadcast %get3A_41 : vector<200x1xf32> to vector<200x1024xf32>
    %add3A_42 = arith.addf %dot_general3A_38, %add3A : vector<200x1024xf32>
    %mul3A_43 = arith.constant 0.999994993 : f32
    %mul3A_44 = vector.broadcast %mul3A_43 : f32 to vector<200x1024xf32>
    %mul3A_45 = arith.mulf %add3A_42, %mul3A_44 : vector<200x1024xf32>
    %max3A_46 = arith.constant 0.000000e+00 : f32
    %max3A_47 = vector.broadcast %max3A_46 : f32 to vector<200x1024xf32>
    %max3A_48 = arith.maximumf %mul3A_45, %max3A_47 : vector<200x1024xf32>
    %get3A_49 = arith.constant 0 : index
    %get3A_50 = arith.constant 0 : index
    %get3A_51 = vector.load %arg6[%get3A_49, %get3A_50] : memref<200x200xf32, #tpu.memory_space<vmem>>, vector<200x200xf32>
    %dot_general3A_52 = arith.constant dense<0.000000e+00> : vector<200x1024xf32>
    %dot_general3A_53 = tpu.matmul %get3A_51, %max3A_48, %dot_general3A_52 {dimension_numbers = #tpu.dot_dimension_numbers<[1], [0], [0], [1], [0, 0, 1, 1], [], []>, transpose_lhs_hint = false} : vector<200x200xf32>, vector<200x1024xf32>, vector<200x1024xf32> -> vector<200x1024xf32>
    %get3A_54 = arith.constant 0 : index
    %get3A_55 = arith.constant 0 : index
    %get3A_56 = vector.load %arg7[%get3A_54, %get3A_55] : memref<200x1xf32, #tpu.memory_space<vmem>>, vector<200x1xf32>
    %add3A_57 = vector.broadcast %get3A_56 : vector<200x1xf32> to vector<200x1024xf32>
    %add3A_58 = arith.addf %dot_general3A_53, %add3A_57 : vector<200x1024xf32>
    %mul3A_59 = arith.constant 0.999994993 : f32
    %mul3A_60 = vector.broadcast %mul3A_59 : f32 to vector<200x1024xf32>
    %mul3A_61 = arith.mulf %add3A_58, %mul3A_60 : vector<200x1024xf32>
    %max3A_62 = arith.constant 0.000000e+00 : f32
    %max3A_63 = vector.broadcast %max3A_62 : f32 to vector<200x1024xf32>
    %max3A_64 = arith.maximumf %mul3A_61, %max3A_63 : vector<200x1024xf32>
    %get3A_65 = arith.constant 0 : index
    %get3A_66 = arith.constant 0 : index
    %get3A_67 = vector.load %arg8[%get3A_65, %get3A_66] : memref<200x200xf32, #tpu.memory_space<vmem>>, vector<200x200xf32>
    %dot_general3A_68 = arith.constant dense<0.000000e+00> : vector<200x1024xf32>
    %dot_general3A_69 = tpu.matmul %get3A_67, %max3A_64, %dot_general3A_68 {dimension_numbers = #tpu.dot_dimension_numbers<[1], [0], [0], [1], [0, 0, 1, 1], [], []>, transpose_lhs_hint = false} : vector<200x200xf32>, vector<200x1024xf32>, vector<200x1024xf32> -> vector<200x1024xf32>
    %get3A_70 = arith.constant 0 : index
    %get3A_71 = arith.constant 0 : index
    %get3A_72 = vector.load %arg9[%get3A_70, %get3A_71] : memref<200x1xf32, #tpu.memory_space<vmem>>, vector<200x1xf32>
    %add3A_73 = vector.broadcast %get3A_72 : vector<200x1xf32> to vector<200x1024xf32>
    %add3A_74 = arith.addf %dot_general3A_69, %add3A_73 : vector<200x1024xf32>
    %mul3A_75 = arith.constant 0.999994993 : f32
    %mul3A_76 = vector.broadcast %mul3A_75 : f32 to vector<200x1024xf32>
    %mul3A_77 = arith.mulf %add3A_74, %mul3A_76 : vector<200x1024xf32>
    %max3A_78 = arith.constant 0.000000e+00 : f32
    %max3A_79 = vector.broadcast %max3A_78 : f32 to vector<200x1024xf32>
    %max3A_80 = arith.maximumf %mul3A_77, %max3A_79 : vector<200x1024xf32>
    %reduce_sum3A_81 = arith.constant dense<0.000000e+00> : vector<1024xf32>
    %reduce_sum3A_82 = vector.multi_reduction <add>, %max3A_80, %reduce_sum3A_81 [0] : vector<200x1024xf32> to vector<1024xf32>
    %broadcast_in_dim3A_83 = vector.shape_cast %reduce_sum3A_82 : vector<1024xf32> to vector<1x1024xf32>
    %concatenate3A = tpu.concatenate %broadcast_in_dim3A_33, %broadcast_in_dim3A_29, %broadcast_in_dim3A_83 in 0 : vector<1x1024xf32>, vector<1x1024xf32>, vector<1x1024xf32> -> vector<3x1024xf32>
    %get3A_84 = arith.constant 0 : index
    %get3A_85 = arith.constant 0 : index
    %get3A_86 = vector.load %arg10[%get3A_84, %get3A_85] : memref<2x3xf32, #tpu.memory_space<vmem>>, vector<2x3xf32>
    %dot_general3A_87 = arith.constant dense<0.000000e+00> : vector<2x1024xf32>
    %dot_general3A_88 = tpu.matmul %get3A_86, %concatenate3A, %dot_general3A_87 {dimension_numbers = #tpu.dot_dimension_numbers<[1], [0], [0], [1], [0, 0, 1, 1], [], []>, precision = #tpu.contract_precision<fp32>, transpose_lhs_hint = false} : vector<2x3xf32>, vector<3x1024xf32>, vector<2x1024xf32> -> vector<2x1024xf32>
    %get3A_89 = arith.constant 0 : index
    %get3A_90 = arith.constant 0 : index
    %get3A_91 = vector.load %arg11[%get3A_89, %get3A_90] : memref<2x1xf32, #tpu.memory_space<vmem>>, vector<2x1xf32>
    %add3A_92 = vector.broadcast %get3A_91 : vector<2x1xf32> to vector<2x1024xf32>
    %add3A_93 = arith.addf %dot_general3A_88, %add3A_92 : vector<2x1024xf32>
    %swap3A = arith.constant 0 : index
    %swap3A_94 = arith.constant 0 : index
    %swap3A_95 = vector.load %arg12[%swap3A, %swap3A_94] : memref<2x1024xf32, #tpu.memory_space<vmem>>, vector<2x1024xf32>
    tpu.vector_store %arg12[%swap3A, %swap3A_94], %add3A_93 {strides = array<i32>} : memref<2x1024xf32, #tpu.memory_space<vmem>>, vector<2x1024xf32>,
    return
  }
  func.func @transform_0(%arg0: i32) -> (i32, i32) {
    %c0_i32 = arith.constant 0 : i32
    %c0_i32_0 = arith.constant 0 : i32
    return %c0_i32, %arg0 : i32, i32
  }
  func.func @transform_1(%arg0: i32) -> (i32, i32) {
    %c0_i32 = arith.constant 0 : i32
    %c0_i32_0 = arith.constant 0 : i32
    return %c0_i32, %arg0 : i32, i32
  }
  func.func @transform_2(%arg0: i32) -> (i32, i32) {
    %c0_i32 = arith.constant 0 : i32
    %c0_i32_0 = arith.constant 0 : i32
    return %c0_i32, %arg0 : i32, i32
  }
  func.func @transform_3(%arg0: i32) -> (i32, i32) {
    %c0_i32 = arith.constant 0 : i32
    %c0_i32_0 = arith.constant 0 : i32
    %c0_i32_1 = arith.constant 0 : i32
    return %c0_i32, %c0_i32_0 : i32, i32
  }
  func.func @transform_4(%arg0: i32) -> (i32, i32) {
    %c0_i32 = arith.constant 0 : i32
    %c0_i32_0 = arith.constant 0 : i32
    %c0_i32_1 = arith.constant 0 : i32
    return %c0_i32, %c0_i32_0 : i32, i32
  }
  func.func @transform_5(%arg0: i32) -> (i32, i32) {
    %c0_i32 = arith.constant 0 : i32
    %c0_i32_0 = arith.constant 0 : i32
    %c0_i32_1 = arith.constant 0 : i32
    return %c0_i32, %c0_i32_0 : i32, i32
  }
  func.func @transform_6(%arg0: i32) -> (i32, i32) {
    %c0_i32 = arith.constant 0 : i32
    %c0_i32_0 = arith.constant 0 : i32
    %c0_i32_1 = arith.constant 0 : i32
    return %c0_i32, %c0_i32_0 : i32, i32
  }
  func.func @transform_7(%arg0: i32) -> (i32, i32) {
    %c0_i32 = arith.constant 0 : i32
    %c0_i32_0 = arith.constant 0 : i32
    %c0_i32_1 = arith.constant 0 : i32
    return %c0_i32, %c0_i32_0 : i32, i32
  }
  func.func @transform_8(%arg0: i32) -> (i32, i32) {
    %c0_i32 = arith.constant 0 : i32
    %c0_i32_0 = arith.constant 0 : i32
    %c0_i32_1 = arith.constant 0 : i32
    return %c0_i32, %c0_i32_0 : i32, i32
  }
  func.func @transform_9(%arg0: i32) -> (i32, i32) {
    %c0_i32 = arith.constant 0 : i32
    %c0_i32_0 = arith.constant 0 : i32
    %c0_i32_1 = arith.constant 0 : i32
    return %c0_i32, %c0_i32_0 : i32, i32
  }
  func.func @transform_10(%arg0: i32) -> (i32, i32) {
    %c0_i32 = arith.constant 0 : i32
    %c0_i32_0 = arith.constant 0 : i32
    %c0_i32_1 = arith.constant 0 : i32
    return %c0_i32, %c0_i32_0 : i32, i32
  }
  func.func @transform_11(%arg0: i32) -> (i32, i32) {
    %c0_i32 = arith.constant 0 : i32
    %c0_i32_0 = arith.constant 0 : i32
    return %c0_i32, %arg0 : i32, i32
  }
}

</mosaic_0001>

<sc_bundles>
// kernel: kernel.4.cloned.1.call-start
scs
__scs_entry_jumppad:
0x0: {  	(pc) =	sbr.rel $0x88, $3  }
0x1: {  	(tag) =	ssettag $0x0;
	lr =	simm.s32 $0x1  }
0x2: {  	[smem:$0x3F95] =	sst lr;
	_ =	strace $0xD0000000  }
0x3: {  	_ = 	snop  }
0x4: {  	_ = 	snop  }
0x5: {  	_ = 	snop  }
0x6: {  	_ = 	snop  }
0x7: {  	_ = 	snop  }
__scs_overlays_trampoline_lowered:
0x8: {  	[smem:$0x3FA4] =	sst s0  }
0x9: {  	[smem:$0x3FA5] =	sst s1  }
0xa: {  	[smem:$0x3FA6] =	sst s2  }
0xb: {  	[smem:$0x3FA7] =	sst s3  }
0xc: {  	[smem:$0x3FA8] =	sst s4  }
0xd: {  	[smem:$0x3FA9] =	sst s5  }
0xe: {  	[smem:$0x3FAA] =	sst s6  }
0xf: {  	[smem:$0x3FAB] =	sst s7  }
0x10: {  	[smem:$0x3FAC] =	sst s8  }
0x11: {  	[smem:$0x3FAD] =	sst s9;
	s0 =	simm.s32 @!p0 $0x0  }
0x12: {  	s1 =	sld [smem:$0x3F93];
	s0 =	simm.s32 @p0 $0x1  }
0x13: {  	[smem:$0x3FAE] =	sst s0;
	s0 =	simm.s32 @!p1 $0x0  }
0x14: {  	s2 =	sld [smem:$0x3F92];
	s0 =	simm.s32 @p1 $0x1  }
0x15: {  	[smem:$0x3FAF] =	sst s0;
	s0 =	simm.s32 @!p2 $0x0  }
0x16: {  	s3 =	sld [smem:$0x3FDB];
	s0 =	simm.s32 @p2 $0x1  }
0x17: {  	s4 =	simm.s32 $0x1BF5;
	[smem:$0x3FB1] =	sst s0  }
0x18: {  	s0 =	sld [smem:$0x3F94];
	_ =	swait.ge [sflag:s4], $0x0  }
0x19: {  	s7 =	sld [smem:$0x3F95]  }
0x1a: {  	s8 =	sadd.s32 $0xFFFFE003, lr  }
0x1b: {  	s9 =	sadd.s32 $0xFFFFFEF7, lr;
	s5 =	simm.s32 $0xFFFFFFFF;
	p2 =	slt.u32 s8, $0xFFFFF086  }
0x1c: {  	p1 =	slt.u32 s9, $0xF7A;
	s5 =	simm.s32 @!p2 $0x0  }
0x1d: {  	s5 =	simm.s32 @p1 $0x1;
	p0 =	seq.s32 s7, s2  }
0x1e: {  	s7 =	smul.u32 @!p0 $0xF7A, s2;
	p2 =	seq.s32 @!p0 s5, $0x0  }
0x1f: {  	s9 =	smul.u32 $0xF7A, s1;
	s8 =	simm.s32 @!p0 $0x1BF5;
	p2 =	por !p2, p0  }
0x20: {  	[sflag:s8] =	ssyncset.s32 @!p0 $0xFFFFF086;
	s6 =	sadd.s32 @!p0 s3, s7;
	s7 =	simm.s32 @!p0 $0x108  }
0x21: {  	s3 =	sadd.s32 s3, s9;
	s6 =	sadd.s32 @!p0 $0x88, s6;
	s7 =	simm.s32 @p2 $0x1082  }
0x22: {  	[simem:s7], [sflag:s8] =	dma.local @!p0 [hbm:s6], $0xF7A  }
0x23: {  	s9 =	sor.u32 $0xD0000000, s2;
	s6 =	simm.s32 $0x108;
	_ =	swait.ge @!p0 [sflag:s8], $0x0  }
0x24: {  	s3 =	sadd.s32 $0x88, s3;
	s6 =	simm.s32 @!p1 $0x1082;
	[sflag:s4] =	ssyncset.s32 $0xFFFFF086  }
0x25: {  	[simem:s6], [sflag:s4] =	dma.local [hbm:s3], $0xF7A  }
0x26: {  	[smem:$0x3F95] =	sst s1;
	(tag) =	ssettag s2;
	_ =	strace s9  }
0x27: {  	s1 =	sld [smem:$0x3FA5]  }
0x28: {  	s2 =	sld [smem:$0x3FA6]  }
0x29: {  	s4 =	sld [smem:$0x3FA8]  }
0x2a: {  	p0 =	seq.s32 s5, $0x0;
	s5 =	sld [smem:$0x3FA9]  }
0x2b: {  	s6 =	sld [smem:$0x3FAA]  }
0x2c: {  	s7 =	sld [smem:$0x3FAB]  }
0x2d: {  	s3 =	simm.s32 $0x108;
	s8 =	sld [smem:$0x3FAC]  }
0x2e: {  	s3 =	simm.s32 @!p0 $0x1082;
	s9 =	sld [smem:$0x3FAD]  }
0x2f: {  	lr =	sadd.s32 s0, s3;
	s0 =	sld [smem:$0x3FA4]  }
0x30: {  	s3 =	sld [smem:$0x3FA7]  }
0x31: {  	[smem:$0x3FB0] =	sst s10  }
0x32: {  	s10 =	sld [smem:$0x3FAE];
	_ =	sdelay $0x3  }
0x33: {  	p0 =	seq.s32 s10, $0x1;
	s10 =	sld [smem:$0x3FB0];
	_ =	sdelay $0x3  }
0x34: {  	[smem:$0x3FB0] =	sst s10  }
0x35: {  	s10 =	sld [smem:$0x3FAF];
	_ =	sdelay $0x3  }
0x36: {  	p1 =	seq.s32 s10, $0x1;
	s10 =	sld [smem:$0x3FB0];
	_ =	sdelay $0x3  }
0x37: {  	[smem:$0x3FB0] =	sst s10  }
0x38: {  	s10 =	sld [smem:$0x3FB1]  }
0x39: {  	_ = 	snop;
	(pc) =	sbr.ind lr, $3  }
0x3a: {  	_ = 	snop  }
0x3b: {  	_ = 	snop  }
0x3c: {  	p2 =	seq.s32 s10, $0x1;
	s10 =	sld [smem:$0x3FB0]  }
0x3d: {  	_ =	shalt  }
0x3e: {  	_ =	shalt  }
0x3f: {  	_ =	shalt  }
0x40: {  	_ =	shalt  }
0x41: {  	_ =	shalt  }
0x42: {  	_ =	shalt  }
0x43: {  	_ =	shalt  }
0x44: {  	_ =	shalt  }
0x45: {  	_ =	shalt  }
0x46: {  	_ =	shalt  }
0x47: {  	_ =	shalt  }
0x48: {  	_ =	shalt  }
0x49: {  	_ =	shalt  }
0x4a: {  	_ =	shalt  }
0x4b: {  	_ =	shalt  }
0x4c: {  	_ =	shalt  }
0x4d: {  	_ =	shalt  }
0x4e: {  	_ =	shalt  }
0x4f: {  	_ =	shalt  }
0x50: {  	_ =	shalt  }
0x51: {  	_ =	shalt  }
0x52: {  	_ =	shalt  }
0x53: {  	_ =	shalt  }
0x54: {  	_ =	shalt  }
0x55: {  	_ =	shalt  }
0x56: {  	_ =	shalt  }
0x57: {  	_ =	shalt  }
0x58: {  	_ =	shalt  }
0x59: {  	_ =	shalt  }
0x5a: {  	_ =	shalt  }
0x5b: {  	_ =	shalt  }
0x5c: {  	_ =	shalt  }
0x5d: {  	_ =	shalt  }
0x5e: {  	_ =	shalt  }
0x5f: {  	_ =	shalt  }
0x60: {  	_ =	shalt  }
0x61: {  	_ =	shalt  }
0x62: {  	_ =	shalt  }
0x63: {  	_ =	shalt  }
0x64: {  	_ =	shalt  }
0x65: {  	_ =	shalt  }
0x66: {  	_ =	shalt  }
0x67: {  	_ =	shalt  }
0x68: {  	_ =	shalt  }
0x69: {  	_ =	shalt  }
0x6a: {  	_ =	shalt  }
0x6b: {  	_ =	shalt  }
0x6c: {  	_ =	shalt  }
0x6d: {  	_ =	shalt  }
0x6e: {  	_ =	shalt  }
0x6f: {  	_ =	shalt  }
0x70: {  	_ =	shalt  }
0x71: {  	_ =	shalt  }
0x72: {  	_ =	shalt  }
0x73: {  	_ =	shalt  }
0x74: {  	_ =	shalt  }
0x75: {  	_ =	shalt  }
0x76: {  	_ =	shalt  }
0x77: {  	_ =	shalt  }
0x78: {  	_ =	shalt  }
0x79: {  	_ =	shalt  }
0x7a: {  	_ =	shalt  }
0x7b: {  	_ =	shalt  }
0x7c: {  	_ =	shalt  }
0x7d: {  	_ =	shalt  }
0x7e: {  	_ =	shalt  }
0x7f: {  	_ =	shalt  }
0x80: {  	_ =	shalt  }
0x81: {  	_ =	shalt  }
0x82: {  	_ =	shalt  }
0x83: {  	_ =	shalt  }
0x84: {  	_ =	shalt  }
0x85: {  	_ =	shalt  }
0x86: {  	_ =	shalt  }
0x87: {  	_ =	shalt  }
.Lfunc_end0:
.L_simem_size_0:
called_computation_lowered:
.L_overlay_start_0:
0x88: {  	s2 =	sld [smem:$0x3FD9]  }
0x89: {  	s3 =	sld [smem:$0x3FFE];
	_ =	sdelay $0x1  }
0x8a: {  	s1 =	srdreg.scid  }
0x8b: {  	s0 =	sand.u32 $0x1, s1  }
0x8c: {  	s17 =	sshll.u32 s0, $0xA;
	s2 =	sadd.s32 s3, s2  }
0x8d: {  	s2 =	sadd.s32 s2, s17  }
0x8e: {  	[smem:$0x3FBC] =	sst s2  }
0x8f: {  	_ = 	snop  }
0x90: {  	s2 =	sld [smem:$0x3FC7]  }
0x91: {  	s18 =	sld [smem:$0x3FC6];
	(tm) =	ssettm $0x1  }
0x92: {  	s4 =	sld [smem:$0x3FFB];
	_ =	sdelay $0x3  }
0x93: {  	_ =	strace s4  }
0x94: {  	s4 =	sld [smem:$0x3FFC];
	_ =	sdelay $0x3  }
0x95: {  	_ =	strace s4  }
0x96: {  	s4 =	sld [smem:$0x3FFD];
	_ =	sdelay $0x3  }
0x97: {  	_ =	strace s4  }
0x98: {  	_ =	strace $0x8FFFFFFF  }
0x99: {  	s19 =	sld [smem:$0x3FDB];
	_ =	sdelay $0x1  }
0x9a: {  	s5 =	simm.s32 $_scs_section_size  }
0x9b: {  	s6 =	simm.s32 $_size__tile_overlayer_lowered;
	s7 =	simm.s32 $_tile_overlayer_lowered  }
0x9c: {  	s22 =	simm.s32 $0x1BFF;
	s21 =	sshll.u32 s7, $0x1;
	s4 =	sadd.s32 s5, s19  }
0x9d: {  	s8 =	simm.s32 $0x0;
	s20 =	sshll.u32 s6, $0x1;
	s6 =	sadd.s32 s21, s4  }
0x9e: {  	[timem:s8], [sflag:s22] =	dma.local [hbm:s6], s20  }
0x9f: {  	_ =	swait.ge [sflag:s22], s20  }
0xa0: {  	s5 =	ssub.s32 $0x0, s20;
	[sflag:s22] =	ssyncset.done $0x0  }
0xa1: {  	[sflag:s22] =	ssyncadd.s32 s5;
	_ =	sdelay $0x1  }
0xa2: {  	s23 =	simm.s32 $0x1B8B  }
0xa3: {  	_ =	swait.ge [sflag:s23], $0x1  }
0xa4: {  	[sflag:s23] =	ssyncset.done $0x0  }
0xa5: {  	s25 =	simm.s32 $0x1B8E;
	s24 =	sld [smem:$0x3FFE];
	[sflag:s23] =	ssyncadd.s32 $0xFFFFFFFF  }
0xa6: {  	s26 =	simm.s32 $execute0_lowered;
	[smem:$0x3FD2] =	sst s25  }
0xa7: {  	s6 =	sshll.u32 s26, $0x1;
	_ =	strace $0x80000046;
	[dreg:$0x1] =	wrdreg $0xFFFFFFFF  }
0xa8: {  	s28 =	simm.s32 $_size_execute0_lowered;
	s4 =	sadd.s32 s4, s6;
	[dreg:$0x0] =	wrdreg $0x0  }
0xa9: {  	s6 =	sshll.u32 s28, $0x1;
	[dreg:$0x2] =	wrdreg s4  }
0xaa: {  	[dreg:$0x3] =	wrdreg s6  }
0xab: {  	[dreg:$0x4] =	wrdreg $0xC0  }
0xac: {  	_ =	task [dreg:s8], $0x5FFFF  }
0xad: {  	[dreg:$0x1] =	wrdreg $0xFFFFFFFF  }
0xae: {  	[dreg:$0x0] =	wrdreg $0x60  }
0xaf: {  	[dreg:$0x2] =	wrdreg s18  }
0xb0: {  	[dreg:$0x3] =	wrdreg s2  }
0xb1: {  	[dreg:$0x4] =	wrdreg s24  }
0xb2: {  	[dreg:$0x5] =	wrdreg $0x9  }
0xb3: {  	_ =	task.clear_ibuf [dreg:s8], $0x6FFFF;
	_ =	strace $0x90000046  }
0xb4: {  	s29 =	simm.s32 $0x9;
	_ =	strace $0x80000048  }
0xb5: {  	_ =	swait.ge [sflag:s29], $0x1  }
0xb6: {  	[sflag:s29] =	ssyncadd.s32 $0xFFFFFFFF  }
0xb7: {  	_ =	strace $0x90000048  }
0xb8: {  	_ =	sfence  }
0xb9: {  	s30 =	sld [smem:$0x0];
	_ =	sdelay $0x2  }
0xba: {  	s31 =	sshll.u32 s1, $0xD;
	s1 =	sshrl.u32 s1, $0x2  }
0xbb: {  	s3 =	sand.u32 $0x4000, s31;
	s1 =	sadd.s32 s1, s30  }
0xbc: {  	s0 =	sor.u32 s3, s0;
	s1 =	sshll.u32 s1, $0x11  }
0xbd: {  	s0 =	sor.u32 s1, s0  }
0xbe: {  	s0 =	sadd.s32 $0x8F2B, s0  }
0xbf: {  	[sflag:s0] =	ssyncadd.remote.s32 $0x1  }
0xc0: {  	_ =	sfence.sel $0xFFFF  }
0xc1: {  	[dreg:$0x0] =	wrdreg $0xFFFFFFFF;
	(pc) =	sbr.abs _section_cstart, $3  }
0xc2: {  	[dreg:$0x1] =	wrdreg $0xFFFFFFFF  }
0xc3: {  	_ =	task.clear_ibuf [dreg:s8], $0x2FFFF;
	_ =	strace $0x9FFFFFFF  }
0xc4: {  	(tm) =	ssettm $0x7FFFFFFF  }
0xc5: {  	_ =	shalt  }
tec
execute0_lowered:
.L_overlay_start_1:
0x0: {  	(tag) =	ssettag $0x1  }
0x1: {  	s1 =	rddreg [dreg:$0x0]  }
0x2: {  	s8 =	rddreg [dreg:$0x1]  }
0x3: {  	s6 =	rddreg [dreg:$0x2]  }
0x4: {  	s0 =	rddreg [dreg:$0x3];
	s2 =	simm.s32 $0x0;
	s3 =	stileid.u32  }
0x5: {  	s7 =	srdreg.scid;
	s13 =	simm.s32 $0x80;
	s14 =	simm.s32 $0x400  }
0x6: {  	s15 =	simm.s32 $0x1;
	s16 =	simm.s32 $0x1C700;
	s17 =	simm.s32 $0x0  }
0x7: {  	[smem:$0x7FF] =	sst s2;
	s4 =	sadd.s32 $0x1C00, s6;
	s5 =	sadd.s32 $0x1EC00, s6  }
0x8: {  	s9 =	sshll.u32 s3, $0xC;
	s7 =	sand.u32 $0x1, s7;
	s10 =	sshll.u32 s3, $0x1  }
0x9: {  	p0 =	sgt.u32 s3, $0xC;
	s11 =	ssub.s32 $0x2, s7;
	s7 =	sor.u32 s7, s10  }
0xa: {  	_ =	strace $0x80000047;
	s9 =	sand.u32 $0xC000, s9;
	s12 =	smul.u32 $0x30E0, s7  }
.Ltmp0:
0xb: {  	s9 =	sadd.s32 s9, s6;
	s31 =	sshrl.u32 s11, $0x1;
	(pc) =	sbr.rel .LBB2_1-.Ltmp0, $4  }
0xc: {  	s10 =	sshll.u32 s7, $0x4;
	s6 =	smul.u32 $0xD, s7;
	s7 =	sshll.u32 s7, $0xB  }
0xd: {  	s11 =	ssub.s32 s11, s31;
	s10 =	sand.u32 $0x70, s10;
	s7 =	sadd.s32 s4, s7  }
0xe: {  	s9 =	sadd.s32 s10, s9;
	s8 =	sadd.s32 s8, s12;
	s10 =	smax.u32 s11, $0x1  }
0xf: {  	s11 =	simm.s32 $0x18700;
	s12 =	simm.s32 $0x2;
	s9 =	sadd.s32 $0xEC00, s9  }
.LBB2_13:
0x10: {  	s17 =	sadd.s32 $0x1, s17  }
0x11: {  	p1 =	sne.s32 s17, s10  }
.Ltmp1:
0x12: {  	_ = 	snop;
	(pc) =	sbr.rel @!p1 .LBB2_14-.Ltmp1, $1  }
0x13: {  	_ =	sdelay $0x3  }
.LBB2_1:
0x14: {  	s18 =	simm.s32 $0x0  }
.LBB2_2:
0x15: {  	s19 =	sadd.s32 s6, s18  }
0x16: {  	s20 =	sshll.u32 s19, $0x7  }
0x17: {  	s19 =	sshrl.u32 s19, $0x3;
	s21 =	sand.u32 $0x1FFFF800, s20  }
0x18: {  	s30 =	smul.u32 $0xC3800, s19;
	s20 =	sand.u32 $0x380, s20;
	s21 =	sadd.s32 s4, s21  }
0x19: {  	[tilespmem:s11], [sflag:$0x2] =	stream.linear.gather [hbm4b:s21+s2], $0x4000, $0x38;
	[tilespmem:$0x1E700] =	vst v63  }
0x1a: {  	s21 =	sor.u32 s20, s30;
	_ =	swait.ge [sflag:s12], $0x4000  }
0x1b: {  	s21 =	sshrl.u32 s21, $0x3;
	[sflag:s12] =	ssyncset.done $0x0  }
0x1c: {  	s21 =	sadd.s32 s1, s21;
	[sflag:s12] =	ssyncadd.s32 $0xFFFFC000  }
0x1d: {  	[tilespmem:s2], [sflag:$0x1] =	stream.strided.gather [hbm4b:s21+s13], $0x18700, s14, s13, $0x38;
	[tilespmem:$0x1E700] =	vst v63  }
0x1e: {  	_ =	swait.ge [sflag:s15], $0x18700  }
0x1f: {  	[sflag:s15] =	ssyncset.done $0x0  }
0x20: {  	s31 =	simm.s32 $0x18740;
	[sflag:s15] =	ssyncadd.s32 $0xFFFE7900  }
0x21: {  	v0 =	vld [tilespmem:s31+$0x30]  }
0x22: {  	v1 =	vld [tilespmem:s31+$0xFFFFFFD0]  }
0x23: {  	v2 =	vld [tilespmem:s31+$0xFFFFFFE0]  }
0x24: {  	v3 =	vld [tilespmem:s31+$0xFFFFFFF0]  }
0x25: {  	v6 =	vld [tilespmem:s31+$0x0]  }
0x26: {  	v7 =	vld [tilespmem:s31+$0x10]  }
0x27: {  	v8 =	vld [tilespmem:s31+$0x20]  }
0x28: {  	v9 =	vld [tilespmem:s31+$0xFFFFFFC0]  }
0x29: {  	v10 =	vld.idx.msk [tilespmem:v0+s2+$0x0], $0xffff  }
0x2a: {  	v11 =	vld.idx.msk [tilespmem:v1+s2+$0x0], $0xffff  }
0x2b: {  	v5 =	vld.idx.msk [tilespmem:v2+s2+$0x0], $0xffff  }
0x2c: {  	v4 =	vld.idx.msk [tilespmem:v3+s2+$0x0], $0xffff  }
0x2d: {  	v3 =	vld.idx.msk [tilespmem:v6+s2+$0x0], $0xffff  }
0x2e: {  	s21 =	simm.s32 $0x1C740;
	v1 =	vld.idx.msk [tilespmem:v7+s2+$0x0], $0xffff  }
0x2f: {  	v0 =	vld.idx.msk [tilespmem:v8+s2+$0x0], $0xffff;
	[tilespmem:s21+$0x30] =	vst v10  }
0x30: {  	s22 =	simm.s32 $0x0;
	s23 =	simm.s32 $0x187C0;
	v2 =	vld.idx.msk [tilespmem:v9+s2+$0x0], $0xffff;
	[tilespmem:s21+$0xFFFFFFD0] =	vst v11  }
.LBB2_3:
0x31: {  	v6 =	vld [tilespmem:s23+$0x30];
	s22 =	sadd.s32 $0x8, s22;
	[tilespmem:s21+$0xFFFFFFE0] =	vst v5  }
0x32: {  	v5 =	vld [tilespmem:s23+$0xFFFFFFD0];
	p1 =	slt.u32 s22, $0x1F8;
	[tilespmem:s21+$0xFFFFFFF0] =	vst v4  }
0x33: {  	v4 =	vld [tilespmem:s23+$0xFFFFFFE0];
	[tilespmem:s21+$0x0] =	vst v3  }
0x34: {  	v3 =	vld [tilespmem:s23+$0xFFFFFFF0];
	[tilespmem:s21+$0x10] =	vst v1  }
0x35: {  	v1 =	vld [tilespmem:s23+$0x0];
	[tilespmem:s21+$0x20] =	vst v0  }
0x36: {  	v0 =	vld [tilespmem:s23+$0x10];
	[tilespmem:s21+$0xFFFFFFC0] =	vst v2  }
0x37: {  	v2 =	vld [tilespmem:s23+$0x20]  }
0x38: {  	v7 =	vld [tilespmem:s23+$0xFFFFFFC0]  }
0x39: {  	v6 =	vld.idx.msk [tilespmem:v6+s2+$0x0], $0xffff  }
0x3a: {  	v8 =	vld.idx.msk [tilespmem:v5+s2+$0x0], $0xffff  }
0x3b: {  	v5 =	vld.idx.msk [tilespmem:v4+s2+$0x0], $0xffff  }
.Ltmp2:
0x3c: {  	v4 =	vld.idx.msk [tilespmem:v3+s2+$0x0], $0xffff;
	(pc) =	sbr.rel @p1 .LBB2_3-.Ltmp2, $4  }
0x3d: {  	v3 =	vld.idx.msk [tilespmem:v1+s2+$0x0], $0xffff  }
0x3e: {  	s21 =	sadd.s32 $0x80, s21;
	v1 =	vld.idx.msk [tilespmem:v0+s2+$0x0], $0xffff  }
0x3f: {  	v0 =	vld.idx.msk [tilespmem:v2+s2+$0x0], $0xffff;
	[tilespmem:s21+$0x30] =	vst v6  }
0x40: {  	s23 =	sadd.s32 $0x80, s23;
	v2 =	vld.idx.msk [tilespmem:v7+s2+$0x0], $0xffff;
	[tilespmem:s21+$0xFFFFFFD0] =	vst v8  }
0x41: {  	[tilespmem:s21+$0xFFFFFFE0] =	vst v5  }
0x42: {  	[tilespmem:s21+$0xFFFFFFF0] =	vst v4  }
0x43: {  	s19 =	sshll.u32 s19, $0x11;
	[tilespmem:s21+$0x0] =	vst v3  }
0x44: {  	s19 =	sor.u32 s20, s19;
	[tilespmem:s21+$0x10] =	vst v1  }
0x45: {  	s19 =	sshrl.u32 s19, $0x3;
	[tilespmem:s21+$0x20] =	vst v0  }
0x46: {  	s19 =	sadd.s32 s5, s19;
	[tilespmem:s21+$0xFFFFFFC0] =	vst v2  }
0x47: {  	[hbm4b:s19+s13] =	stream.strided.scatter [tilespmem:s16], [sflag:$0x2], $0x2000, s14, s13, $0x38;
	[tilespmem:$0x1E700] =	vst v63  }
0x48: {  	_ =	swait.ge [sflag:s12], $0x2000  }
0x49: {  	[sflag:s12] =	ssyncset.done $0x0  }
0x4a: {  	s31 =	simm.s32 $0x1A770;
	[sflag:s12] =	ssyncadd.s32 $0xFFFFE000  }
0x4b: {  	v0 =	vld [tilespmem:s31+$0x0]  }
0x4c: {  	v1 =	vld [tilespmem:s31+$0xFFFFFFA0]  }
0x4d: {  	v2 =	vld [tilespmem:s31+$0xFFFFFFB0]  }
0x4e: {  	v3 =	vld [tilespmem:s31+$0xFFFFFFC0]  }
0x4f: {  	v4 =	vld [tilespmem:s31+$0xFFFFFFD0]  }
0x50: {  	v6 =	vld [tilespmem:s31+$0xFFFFFFE0]  }
0x51: {  	v7 =	vld [tilespmem:s31+$0xFFFFFFF0]  }
0x52: {  	v8 =	vld [tilespmem:s31+$0xFFFFFF90]  }
0x53: {  	v9 =	vld.idx.msk [tilespmem:v0+s2+$0x0], $0xffff  }
0x54: {  	v10 =	vld.idx.msk [tilespmem:v1+s2+$0x0], $0xffff  }
0x55: {  	v5 =	vld.idx.msk [tilespmem:v2+s2+$0x0], $0xffff  }
0x56: {  	v3 =	vld.idx.msk [tilespmem:v3+s2+$0x0], $0xffff  }
0x57: {  	v0 =	vld.idx.msk [tilespmem:v4+s2+$0x0], $0xffff  }
0x58: {  	s20 =	simm.s32 $0x1C740;
	v1 =	vld.idx.msk [tilespmem:v6+s2+$0x0], $0xffff  }
0x59: {  	v2 =	vld.idx.msk [tilespmem:v7+s2+$0x0], $0xffff;
	[tilespmem:s20+$0x30] =	vst v9  }
0x5a: {  	s22 =	simm.s32 $0x1A7F0;
	s21 =	simm.s32 $0x0;
	v4 =	vld.idx.msk [tilespmem:v8+s2+$0x0], $0xffff;
	[tilespmem:s20+$0xFFFFFFD0] =	vst v10  }
.LBB2_5:
0x5b: {  	v6 =	vld [tilespmem:s22+$0x0];
	s21 =	sadd.s32 $0x8, s21;
	[tilespmem:s20+$0xFFFFFFE0] =	vst v5  }
0x5c: {  	v5 =	vld [tilespmem:s22+$0xFFFFFFA0];
	p1 =	slt.u32 s21, $0x1F8;
	[tilespmem:s20+$0xFFFFFFF0] =	vst v3  }
0x5d: {  	v3 =	vld [tilespmem:s22+$0xFFFFFFB0];
	[tilespmem:s20+$0x0] =	vst v0  }
0x5e: {  	v0 =	vld [tilespmem:s22+$0xFFFFFFC0];
	[tilespmem:s20+$0x10] =	vst v1  }
0x5f: {  	v1 =	vld [tilespmem:s22+$0xFFFFFFD0];
	[tilespmem:s20+$0x20] =	vst v2  }
0x60: {  	v2 =	vld [tilespmem:s22+$0xFFFFFFE0];
	[tilespmem:s20+$0xFFFFFFC0] =	vst v4  }
0x61: {  	v4 =	vld [tilespmem:s22+$0xFFFFFFF0]  }
0x62: {  	v7 =	vld [tilespmem:s22+$0xFFFFFF90]  }
0x63: {  	v6 =	vld.idx.msk [tilespmem:v6+s2+$0x0], $0xffff  }
0x64: {  	v8 =	vld.idx.msk [tilespmem:v5+s2+$0x0], $0xffff  }
0x65: {  	v5 =	vld.idx.msk [tilespmem:v3+s2+$0x0], $0xffff  }
.Ltmp3:
0x66: {  	v3 =	vld.idx.msk [tilespmem:v0+s2+$0x0], $0xffff;
	(pc) =	sbr.rel @p1 .LBB2_5-.Ltmp3, $4  }
0x67: {  	v0 =	vld.idx.msk [tilespmem:v1+s2+$0x0], $0xffff  }
0x68: {  	s20 =	sadd.s32 $0x80, s20;
	v1 =	vld.idx.msk [tilespmem:v2+s2+$0x0], $0xffff  }
0x69: {  	v2 =	vld.idx.msk [tilespmem:v4+s2+$0x0], $0xffff;
	[tilespmem:s20+$0x30] =	vst v6  }
0x6a: {  	s22 =	sadd.s32 $0x80, s22;
	v4 =	vld.idx.msk [tilespmem:v7+s2+$0x0], $0xffff;
	[tilespmem:s20+$0xFFFFFFD0] =	vst v8  }
0x6b: {  	[tilespmem:s20+$0xFFFFFFE0] =	vst v5  }
0x6c: {  	[tilespmem:s20+$0xFFFFFFF0] =	vst v3  }
0x6d: {  	[tilespmem:s20+$0x0] =	vst v0  }
0x6e: {  	s18 =	sadd.s32 $0x1, s18;
	[tilespmem:s20+$0x10] =	vst v1  }
0x6f: {  	p1 =	sne.s32 s18, $0xD;
	[tilespmem:s20+$0x20] =	vst v2  }
.Ltmp4:
0x70: {  	s19 =	sadd.s32 $0x2000, s19;
	[tilespmem:s20+$0xFFFFFFC0] =	vst v4;
	(pc) =	sbr.rel @p1 .LBB2_2-.Ltmp4, $4  }
0x71: {  	[hbm4b:s19+s13] =	stream.strided.scatter [tilespmem:s16], [sflag:$0x2], $0x2000, s14, s13, $0x38;
	[tilespmem:$0x1E700] =	vst v63  }
0x72: {  	_ =	swait.ge [sflag:s12], $0x2000  }
0x73: {  	[sflag:s12] =	ssyncset.done $0x0  }
0x74: {  	[sflag:s12] =	ssyncadd.s32 $0xFFFFE000  }
.Ltmp5:
0x75: {  	(pc) =	sbr.rel @p0 .LBB2_13-.Ltmp5, $1  }
0x76: {  	_ =	sdelay $0x3  }
0x77: {  	[tilespmem:s11], [sflag:$0x2] =	stream.linear.gather [hbm4b:s7+s2], $0x4000, $0x38;
	[tilespmem:$0x1E700] =	vst v63  }
0x78: {  	_ =	swait.ge [sflag:s12], $0x4000  }
0x79: {  	[sflag:s12] =	ssyncset.done $0x0  }
0x7a: {  	[sflag:s12] =	ssyncadd.s32 $0xFFFFC000  }
0x7b: {  	[tilespmem:s2], [sflag:$0x1] =	stream.linear.gather [hbm4b:s8+s2], $0x18700, $0x38;
	[tilespmem:$0x1E700] =	vst v63  }
0x7c: {  	_ =	swait.ge [sflag:s15], $0x18700  }
0x7d: {  	[sflag:s15] =	ssyncset.done $0x0  }
0x7e: {  	s18 =	simm.s32 $0x18740;
	[sflag:s15] =	ssyncadd.s32 $0xFFFE7900  }
0x7f: {  	v0 =	vld [tilespmem:s18+$0x30]  }
0x80: {  	v1 =	vld [tilespmem:s18+$0xFFFFFFD0]  }
0x81: {  	v2 =	vld [tilespmem:s18+$0xFFFFFFE0]  }
0x82: {  	v3 =	vld [tilespmem:s18+$0xFFFFFFF0]  }
0x83: {  	v4 =	vld [tilespmem:s18+$0x0]  }
0x84: {  	v6 =	vld [tilespmem:s18+$0x10]  }
0x85: {  	v7 =	vld [tilespmem:s18+$0x20]  }
0x86: {  	v8 =	vld [tilespmem:s18+$0xFFFFFFC0]  }
0x87: {  	v9 =	vld.idx.msk [tilespmem:v0+s2+$0x0], $0xffff  }
0x88: {  	v10 =	vld.idx.msk [tilespmem:v1+s2+$0x0], $0xffff  }
0x89: {  	v5 =	vld.idx.msk [tilespmem:v2+s2+$0x0], $0xffff  }
0x8a: {  	v3 =	vld.idx.msk [tilespmem:v3+s2+$0x0], $0xffff  }
0x8b: {  	v0 =	vld.idx.msk [tilespmem:v4+s2+$0x0], $0xffff  }
0x8c: {  	s18 =	simm.s32 $0x1C740;
	v1 =	vld.idx.msk [tilespmem:v6+s2+$0x0], $0xffff  }
0x8d: {  	v2 =	vld.idx.msk [tilespmem:v7+s2+$0x0], $0xffff;
	[tilespmem:s18+$0x30] =	vst v9  }
0x8e: {  	s19 =	simm.s32 $0x0;
	s20 =	simm.s32 $0x187C0;
	v4 =	vld.idx.msk [tilespmem:v8+s2+$0x0], $0xffff;
	[tilespmem:s18+$0xFFFFFFD0] =	vst v10  }
.LBB2_9:
0x8f: {  	v6 =	vld [tilespmem:s20+$0x30];
	s19 =	sadd.s32 $0x8, s19;
	[tilespmem:s18+$0xFFFFFFE0] =	vst v5  }
0x90: {  	v5 =	vld [tilespmem:s20+$0xFFFFFFD0];
	p1 =	slt.u32 s19, $0x1F8;
	[tilespmem:s18+$0xFFFFFFF0] =	vst v3  }
0x91: {  	v3 =	vld [tilespmem:s20+$0xFFFFFFE0];
	[tilespmem:s18+$0x0] =	vst v0  }
0x92: {  	v0 =	vld [tilespmem:s20+$0xFFFFFFF0];
	[tilespmem:s18+$0x10] =	vst v1  }
0x93: {  	v1 =	vld [tilespmem:s20+$0x0];
	[tilespmem:s18+$0x20] =	vst v2  }
0x94: {  	v2 =	vld [tilespmem:s20+$0x10];
	[tilespmem:s18+$0xFFFFFFC0] =	vst v4  }
0x95: {  	v4 =	vld [tilespmem:s20+$0x20]  }
0x96: {  	v7 =	vld [tilespmem:s20+$0xFFFFFFC0]  }
0x97: {  	v6 =	vld.idx.msk [tilespmem:v6+s2+$0x0], $0xffff  }
0x98: {  	v8 =	vld.idx.msk [tilespmem:v5+s2+$0x0], $0xffff  }
0x99: {  	v5 =	vld.idx.msk [tilespmem:v3+s2+$0x0], $0xffff  }
.Ltmp6:
0x9a: {  	v3 =	vld.idx.msk [tilespmem:v0+s2+$0x0], $0xffff;
	(pc) =	sbr.rel @p1 .LBB2_9-.Ltmp6, $4  }
0x9b: {  	v0 =	vld.idx.msk [tilespmem:v1+s2+$0x0], $0xffff  }
0x9c: {  	s18 =	sadd.s32 $0x80, s18;
	v1 =	vld.idx.msk [tilespmem:v2+s2+$0x0], $0xffff  }
0x9d: {  	v2 =	vld.idx.msk [tilespmem:v4+s2+$0x0], $0xffff;
	[tilespmem:s18+$0x30] =	vst v6  }
0x9e: {  	s20 =	sadd.s32 $0x80, s20;
	v4 =	vld.idx.msk [tilespmem:v7+s2+$0x0], $0xffff;
	[tilespmem:s18+$0xFFFFFFD0] =	vst v8  }
0x9f: {  	[tilespmem:s18+$0xFFFFFFE0] =	vst v5  }
0xa0: {  	[tilespmem:s18+$0xFFFFFFF0] =	vst v3  }
0xa1: {  	[tilespmem:s18+$0x0] =	vst v0  }
0xa2: {  	[tilespmem:s18+$0x10] =	vst v1  }
0xa3: {  	[tilespmem:s18+$0x20] =	vst v2  }
0xa4: {  	[tilespmem:s18+$0xFFFFFFC0] =	vst v4  }
0xa5: {  	[hbm4b:s9+s13] =	stream.strided.scatter [tilespmem:s16], [sflag:$0x2], $0x2000, s14, s13, $0x38;
	[tilespmem:$0x1E700] =	vst v63  }
0xa6: {  	_ =	swait.ge [sflag:s12], $0x2000  }
0xa7: {  	[sflag:s12] =	ssyncset.done $0x0  }
0xa8: {  	s31 =	simm.s32 $0x1A770;
	[sflag:s12] =	ssyncadd.s32 $0xFFFFE000  }
0xa9: {  	v0 =	vld [tilespmem:s31+$0x0]  }
0xaa: {  	v1 =	vld [tilespmem:s31+$0xFFFFFFA0]  }
0xab: {  	v2 =	vld [tilespmem:s31+$0xFFFFFFB0]  }
0xac: {  	v3 =	vld [tilespmem:s31+$0xFFFFFFC0]  }
0xad: {  	v4 =	vld [tilespmem:s31+$0xFFFFFFD0]  }
0xae: {  	v6 =	vld [tilespmem:s31+$0xFFFFFFE0]  }
0xaf: {  	v7 =	vld [tilespmem:s31+$0xFFFFFFF0]  }
0xb0: {  	v8 =	vld [tilespmem:s31+$0xFFFFFF90]  }
0xb1: {  	v9 =	vld.idx.msk [tilespmem:v0+s2+$0x0], $0xffff  }
0xb2: {  	v10 =	vld.idx.msk [tilespmem:v1+s2+$0x0], $0xffff  }
0xb3: {  	v5 =	vld.idx.msk [tilespmem:v2+s2+$0x0], $0xffff  }
0xb4: {  	v3 =	vld.idx.msk [tilespmem:v3+s2+$0x0], $0xffff  }
0xb5: {  	v0 =	vld.idx.msk [tilespmem:v4+s2+$0x0], $0xffff  }
0xb6: {  	s18 =	simm.s32 $0x1C740;
	v1 =	vld.idx.msk [tilespmem:v6+s2+$0x0], $0xffff  }
0xb7: {  	v2 =	vld.idx.msk [tilespmem:v7+s2+$0x0], $0xffff;
	[tilespmem:s18+$0x30] =	vst v9  }
0xb8: {  	s19 =	simm.s32 $0x0;
	s20 =	simm.s32 $0x1A7F0;
	v4 =	vld.idx.msk [tilespmem:v8+s2+$0x0], $0xffff;
	[tilespmem:s18+$0xFFFFFFD0] =	vst v10  }
.LBB2_11:
0xb9: {  	v6 =	vld [tilespmem:s20+$0x0];
	s19 =	sadd.s32 $0x8, s19;
	[tilespmem:s18+$0xFFFFFFE0] =	vst v5  }
0xba: {  	v5 =	vld [tilespmem:s20+$0xFFFFFFA0];
	p1 =	slt.u32 s19, $0x1F8;
	[tilespmem:s18+$0xFFFFFFF0] =	vst v3  }
0xbb: {  	v3 =	vld [tilespmem:s20+$0xFFFFFFB0];
	[tilespmem:s18+$0x0] =	vst v0  }
0xbc: {  	v0 =	vld [tilespmem:s20+$0xFFFFFFC0];
	[tilespmem:s18+$0x10] =	vst v1  }
0xbd: {  	v1 =	vld [tilespmem:s20+$0xFFFFFFD0];
	[tilespmem:s18+$0x20] =	vst v2  }
0xbe: {  	v2 =	vld [tilespmem:s20+$0xFFFFFFE0];
	[tilespmem:s18+$0xFFFFFFC0] =	vst v4  }
0xbf: {  	v4 =	vld [tilespmem:s20+$0xFFFFFFF0]  }
0xc0: {  	v7 =	vld [tilespmem:s20+$0xFFFFFF90]  }
0xc1: {  	v6 =	vld.idx.msk [tilespmem:v6+s2+$0x0], $0xffff  }
0xc2: {  	v8 =	vld.idx.msk [tilespmem:v5+s2+$0x0], $0xffff  }
0xc3: {  	v5 =	vld.idx.msk [tilespmem:v3+s2+$0x0], $0xffff  }
.Ltmp7:
0xc4: {  	v3 =	vld.idx.msk [tilespmem:v0+s2+$0x0], $0xffff;
	(pc) =	sbr.rel @p1 .LBB2_11-.Ltmp7, $4  }
0xc5: {  	v0 =	vld.idx.msk [tilespmem:v1+s2+$0x0], $0xffff  }
0xc6: {  	s18 =	sadd.s32 $0x80, s18;
	v1 =	vld.idx.msk [tilespmem:v2+s2+$0x0], $0xffff  }
0xc7: {  	v2 =	vld.idx.msk [tilespmem:v4+s2+$0x0], $0xffff;
	[tilespmem:s18+$0x30] =	vst v6  }
0xc8: {  	s20 =	sadd.s32 $0x80, s20;
	v4 =	vld.idx.msk [tilespmem:v7+s2+$0x0], $0xffff;
	[tilespmem:s18+$0xFFFFFFD0] =	vst v8  }
0xc9: {  	[tilespmem:s18+$0xFFFFFFE0] =	vst v5  }
0xca: {  	[tilespmem:s18+$0xFFFFFFF0] =	vst v3  }
0xcb: {  	[tilespmem:s18+$0x0] =	vst v0  }
0xcc: {  	[tilespmem:s18+$0x10] =	vst v1  }
0xcd: {  	[tilespmem:s18+$0x20] =	vst v2  }
.Ltmp8:
0xce: {  	s31 =	sadd.s32 $0x2000, s9;
	[tilespmem:s18+$0xFFFFFFC0] =	vst v4;
	(pc) =	sbr.rel .LBB2_13-.Ltmp8, $4  }
0xcf: {  	[hbm4b:s31+s13] =	stream.strided.scatter [tilespmem:s16], [sflag:$0x2], $0x2000, s14, s13, $0x38;
	[tilespmem:$0x1E700] =	vst v63  }
0xd0: {  	_ =	swait.ge [sflag:s12], $0x2000  }
0xd1: {  	[sflag:s12] =	ssyncset.done $0x0  }
0xd2: {  	[sflag:s12] =	ssyncadd.s32 $0xFFFFE000  }
.LBB2_14:
0xd3: {  	_ =	sfence.sel $0x180000  }
0xd4: {  	[bflag:$0x0] =	sbarrier.arrive $0xFFFF  }
0xd5: {  	p0 =	sne.s32 s3, $0x0;
	_ =	strace $0x90000047  }
0xd6: {  	s0 =	sadd.s32 @!p0 $0x100000, s0;
	[bflag:$0x2] =	sbarrier.arrive $0xFFFF  }
0xd7: {  	[sflag:s0] =	ssyncadd.tile.s32 @!p0 $0x1;
	_ =	shalt  }
.Lfunc_end2:
_tile_overlayer_lowered:
.L_overlay_start_2:
0xd8: {  	(tag) =	ssettag $0x2  }
0xd9: {  	s0 =	rddreg [dreg:$0x0];
	s2 =	stileid.u32  }
0xda: {  	s1 =	rddreg [dreg:$0x1];
	p0 =	sne.s32 s2, $0x0  }
0xdb: {  	s3 =	rddreg [dreg:$0x2];
	[bflag:$0x3] =	sbarrier.arrive $0xFFFF;
	s2 =	simm.s32 @!p0 $0x1C02  }
0xdc: {  	[timem:s3], [sflag:s2] =	dma.local @!p0 [hbm:s0], s1  }
0xdd: {  	s0 =	simm.s32 @!p0 $0x2  }
0xde: {  	_ =	swait.ge @!p0 [sflag:s0], s1  }
0xdf: {  	s1 =	ssub.s32 @!p0 $0x0, s1;
	[sflag:s0] =	ssyncset.done @!p0 $0x0  }
0xe0: {  	[sflag:s0] =	ssyncadd.s32 @!p0 s1  }
0xe1: {  	[bflag:$0x3] =	sbarrier.arrive $0xFFFF  }
0xe2: {  	_ =	shalt  }

</sc_bundles>
